<compile_context>
chip_gen: v7x
topology: tpu7x:2x2x1
jax: 0.10.2.dev20260603
libtpu: 0.0.44.dev20260713+nightly
codegen_flags: <defaults>
</compile_context>

<pallas_src>
import jax
import jax.numpy as jnp
from jax import lax
from jax.experimental import pallas as pl
from jax.experimental.pallas import tpu as pltpu
from jax.experimental.pallas import tpu_sc as plsc

N_NODES = 10000
D_FEAT = 128
N_EDGE_ELEMS = 640000

NC = 2
NS = 16
NW = NC * NS
L = 16

ROWS_PER_W = 320
X_CHUNK = 80
N_XCHUNKS = ROWS_PER_W // X_CHUNK
EDGES_PER_W = N_EDGE_ELEMS // NW


N_ECOLS = N_EDGE_ELEMS // 2
E_TILES_W = 79
E_COLS_W = E_TILES_W * 128
E_LAST_TBASE = (N_ECOLS // 128) - E_TILES_W
E_CHUNK_COLS = (40 * 128, 39 * 128)


def _sc_body(x_hbm, edge_hbm, perm_hbm, out_x_hbm, out_e_hbm,
             perm_v, inv_v, idx_v, rows_v, edge_v, eout_v,
             sem_perm, sem_idx, sem_edge, sem_rows, sem_eo, sem_rw):
    c = lax.axis_index("c")
    s = lax.axis_index("s")
    wid = s * NC + c

    xbase = jnp.minimum(wid * ROWS_PER_W, N_NODES - ROWS_PER_W)
    idx_cps = []
    for j in range(N_XCHUNKS):
        idx_cps.append(pltpu.async_copy(
            perm_hbm.at[pl.ds(xbase + j * X_CHUNK, X_CHUNK)],
            idx_v.at[j], sem_idx))

    ecol = jnp.minimum(wid * E_TILES_W, E_LAST_TBASE) * 128
    cp_edge = pltpu.async_copy(
        edge_hbm.at[pl.ds(0, 2), pl.ds(ecol, E_COLS_W)], edge_v, sem_edge)

    cp_perm = pltpu.async_copy(perm_hbm, perm_v, sem_perm)

    row_cps = []
    for j in range(N_XCHUNKS):
        idx_cps[j].wait()
        row_cps.append(pltpu.async_copy(
            x_hbm.at[idx_v.at[j]],
            rows_v.at[pl.ds(j * X_CHUNK, X_CHUNK)], sem_rows))

    cp_perm.wait()

    @plsc.parallel_loop(0, N_NODES // L, unroll=8)
    def _inv_loop(i):
        p = perm_v[pl.ds(i * L, L)]
        plsc.store_scatter(inv_v, [p], lax.iota(jnp.int32, L) + i * L)

    cp_edge.wait()

    eout_cps = []
    rw_cps = []
    off = 0
    for n_chunk, ch_cols in enumerate(E_CHUNK_COLS):
        for r in range(2):
            @plsc.parallel_loop(off // L, (off + ch_cols) // L, unroll=8)
            def _edge_loop(i, r=r):
                e = edge_v[r, pl.ds(i * L, L)]
                eout_v[r, pl.ds(i * L, L)] = plsc.load_gather(inv_v, [e])

        eout_cps.append(pltpu.async_copy(
            eout_v.at[pl.ds(0, 2), pl.ds(off, ch_cols)],
            out_e_hbm.at[pl.ds(0, 2), pl.ds(ecol + off, ch_cols)], sem_eo))
        off += ch_cols

        if n_chunk == 0:
            for j in range(N_XCHUNKS):
                row_cps[j].wait()
                rw_cps.append(pltpu.async_copy(
                    rows_v.at[pl.ds(j * X_CHUNK, X_CHUNK)],
                    out_x_hbm.at[pl.ds(xbase + j * X_CHUNK, X_CHUNK)],
                    sem_rw))

    for cp in eout_cps:
        cp.wait()
    for cp in rw_cps:
        cp.wait()


@jax.jit
def kernel(x, edge_index, perm):
    edge32 = edge_index.astype(jnp.int32)
    perm32 = perm.astype(jnp.int32)

    run = pl.kernel(
        _sc_body,
        out_type=(
            jax.ShapeDtypeStruct((N_NODES, D_FEAT), jnp.float32),
            jax.ShapeDtypeStruct((2, N_EDGE_ELEMS // 2), jnp.int32),
        ),
        mesh=plsc.VectorSubcoreMesh(
            core_axis_name="c", subcore_axis_name="s"),
        compiler_params=pltpu.CompilerParams(needs_layout_passes=False),
        scratch_types=[
            pltpu.VMEM((N_NODES,), jnp.int32),
            pltpu.VMEM((N_NODES,), jnp.int32),
            pltpu.VMEM((N_XCHUNKS, X_CHUNK), jnp.int32),
            pltpu.VMEM((ROWS_PER_W, D_FEAT), jnp.float32),
            pltpu.VMEM((2, E_COLS_W), jnp.int32),
            pltpu.VMEM((2, E_COLS_W), jnp.int32),
            pltpu.SemaphoreType.DMA,
            pltpu.SemaphoreType.DMA,
            pltpu.SemaphoreType.DMA,
            pltpu.SemaphoreType.DMA,
            pltpu.SemaphoreType.DMA,
            pltpu.SemaphoreType.DMA,
        ],
    )
    new_x, new_edge = run(x, edge32, perm32)
    return new_x, new_edge

# --- scband reference (transcript-rebuilt; emitter-appended) ---
"""Pipeline reference for scband-graph-permutation-3143916061258 (READ-ONLY COPY).

The authoritative reference and input builder live on the scoring server;
editing this copy changes nothing except your own understanding.
"""

import jax, jax.numpy as jnp
import numpy as np

N_NODES = 10000
D_FEAT = 128
N_EDGES = 320000


def setup_inputs(seed: int = 0) -> dict:
    key = jax.random.key(seed)
    k_x, k_e, k_p = jax.random.split(key, 3)
    x = jax.random.normal(k_x, (N_NODES, D_FEAT), dtype=jnp.float32)
    edge_index = jax.random.randint(k_e, (2, N_EDGES), 0, N_NODES, dtype=jnp.int64)
    # perm must be a true permutation of node indices (torch.randperm equivalent)
    perm = jax.random.permutation(k_p, N_NODES).astype(jnp.int64)
    return {"x": x, "edge_index": edge_index, "perm": perm}


def reference(x, edge_index, perm):
    # GraphPermutation.forward:
    #   new_data.x = x[perm, :]
    #   inv_perm = argsort(perm)
    #   new_edge_index = inv_perm[edge_index]  (elementwise remap via apply_)
    new_x = jnp.take(x, perm, axis=0)
    inv_perm = jnp.argsort(perm)
    new_edge_index = jnp.take(inv_perm, edge_index)
    return (new_x, new_edge_index)

if __name__ == "__main__":
    import jax
    _d = setup_inputs()
    print(jax.jit(kernel)(*tuple(_d.values())))

</pallas_src>

<mosaic_0001>
#map = affine_map<(d0, d1) -> (0, 0)>
#map1 = affine_map<(d0, d1) -> (0)>
module attributes {stable_mosaic.version = 14 : i64} {
  func.func @_sc_body(%arg0: i32, %arg1: i32, %arg2: memref<10000x128xf32, #tpu.memory_space<hbm>>, %arg3: memref<2x320000xi32, #tpu.memory_space<hbm>>, %arg4: memref<10000xi32, #tpu.memory_space<hbm>>, %arg5: memref<10000x128xf32, #tpu.memory_space<hbm>>, %arg6: memref<2x320000xi32, #tpu.memory_space<hbm>>, %arg7: memref<10000xi32, #tpu.memory_space<vmem>>, %arg8: memref<10000xi32, #tpu.memory_space<vmem>>, %arg9: memref<4x80xi32, #tpu.memory_space<vmem>>, %arg10: memref<320x128xf32, #tpu.memory_space<vmem>>, %arg11: memref<2x10112xi32, #tpu.memory_space<vmem>>, %arg12: memref<2x10112xi32, #tpu.memory_space<vmem>>, %arg13: memref<!tpu.dma_semaphore, #tpu.memory_space<semaphore_mem>>, %arg14: memref<!tpu.dma_semaphore, #tpu.memory_space<semaphore_mem>>, %arg15: memref<!tpu.dma_semaphore, #tpu.memory_space<semaphore_mem>>, %arg16: memref<!tpu.dma_semaphore, #tpu.memory_space<semaphore_mem>>, %arg17: memref<!tpu.dma_semaphore, #tpu.memory_space<semaphore_mem>>, %arg18: memref<!tpu.dma_semaphore, #tpu.memory_space<semaphore_mem>>) attributes {dimension_semantics = [#tpu.dimension_semantics<core_parallel>, #tpu.dimension_semantics<subcore_parallel>], iteration_bounds = array<i64: 2, 16>, scalar_prefetch = 0 : i64, scratch_operands = 12 : i64, tpu.core_type = #tpu.core_type<sc_vector_subcore>, window_params = [{transform_indices = #map}, {transform_indices = #map}, {transform_indices = #map1}, {transform_indices = #map}, {transform_indices = #map}]} {
    %mul3A = arith.constant 2 : i32
    %mul3A_0 = arith.muli %arg1, %mul3A : i32
    %add3A = arith.addi %mul3A_0, %arg0 : i32
    %mul3A_1 = arith.constant 320 : i32
    %mul3A_2 = arith.muli %add3A, %mul3A_1 : i32
    %min3A = arith.constant 9680 : i32
    %min3A_3 = arith.minsi %mul3A_2, %min3A : i32
    %add3A_4 = arith.constant 0 : i32
    %add3A_5 = arith.addi %min3A_3, %add3A_4 : i32
    %dma_start3A = arith.constant 0 : i32
    %dma_start3A_6 = arith.constant 0 : i32
    %dma_start3A_7 = tpu.memref_slice %arg9[%dma_start3A, %dma_start3A_6] : memref<4x80xi32, #tpu.memory_space<vmem>> -> memref<1x80xi32, #tpu.memory_space<vmem>>
    %dma_start3A_8 = tpu.memref_squeeze %dma_start3A_7 : memref<1x80xi32, #tpu.memory_space<vmem>> -> memref<80xi32, #tpu.memory_space<vmem>>
    %dma_start3A_9 = tpu.memref_slice %arg4[%add3A_5] : memref<10000xi32, #tpu.memory_space<hbm>> -> memref<80xi32, #tpu.memory_space<hbm>>
    %dma_start3A_10 = arith.constant 0 : i32
    %dma_start3A_11 = tpu.memref_slice %arg9[%dma_start3A, %dma_start3A_10] : memref<4x80xi32, #tpu.memory_space<vmem>> -> memref<1x80xi32, #tpu.memory_space<vmem>>
    %dma_start3A_12 = tpu.memref_squeeze %dma_start3A_11 : memref<1x80xi32, #tpu.memory_space<vmem>> -> memref<80xi32, #tpu.memory_space<vmem>>
    %dma_start3A_13 = tpu.memref_slice %arg4[%add3A_5] : memref<10000xi32, #tpu.memory_space<hbm>> -> memref<80xi32, #tpu.memory_space<hbm>>
    tpu.enqueue_dma source(%dma_start3A_13 : memref<80xi32, #tpu.memory_space<hbm>>) target(%dma_start3A_12 : memref<80xi32, #tpu.memory_space<vmem>>) target_semaphore(%arg14 : memref<!tpu.dma_semaphore, #tpu.memory_space<semaphore_mem>>)
    %add3A_14 = arith.constant 80 : i32
    %add3A_15 = arith.addi %min3A_3, %add3A_14 : i32
    %dma_start3A_16 = arith.constant 1 : i32
    %dma_start3A_17 = arith.constant 0 : i32
    %dma_start3A_18 = tpu.memref_slice %arg9[%dma_start3A_16, %dma_start3A_17] : memref<4x80xi32, #tpu.memory_space<vmem>> -> memref<1x80xi32, #tpu.memory_space<vmem>>
    %dma_start3A_19 = tpu.memref_squeeze %dma_start3A_18 : memref<1x80xi32, #tpu.memory_space<vmem>> -> memref<80xi32, #tpu.memory_space<vmem>>
    %dma_start3A_20 = tpu.memref_slice %arg4[%add3A_15] : memref<10000xi32, #tpu.memory_space<hbm>> -> memref<80xi32, #tpu.memory_space<hbm>>
    %dma_start3A_21 = arith.constant 0 : i32
    %dma_start3A_22 = tpu.memref_slice %arg9[%dma_start3A_16, %dma_start3A_21] : memref<4x80xi32, #tpu.memory_space<vmem>> -> memref<1x80xi32, #tpu.memory_space<vmem>>
    %dma_start3A_23 = tpu.memref_squeeze %dma_start3A_22 : memref<1x80xi32, #tpu.memory_space<vmem>> -> memref<80xi32, #tpu.memory_space<vmem>>
    %dma_start3A_24 = tpu.memref_slice %arg4[%add3A_15] : memref<10000xi32, #tpu.memory_space<hbm>> -> memref<80xi32, #tpu.memory_space<hbm>>
    tpu.enqueue_dma source(%dma_start3A_24 : memref<80xi32, #tpu.memory_space<hbm>>) target(%dma_start3A_23 : memref<80xi32, #tpu.memory_space<vmem>>) target_semaphore(%arg14 : memref<!tpu.dma_semaphore, #tpu.memory_space<semaphore_mem>>)
    %add3A_25 = arith.constant 160 : i32
    %add3A_26 = arith.addi %min3A_3, %add3A_25 : i32
    %dma_start3A_27 = arith.constant 2 : i32
    %dma_start3A_28 = arith.constant 0 : i32
    %dma_start3A_29 = tpu.memref_slice %arg9[%dma_start3A_27, %dma_start3A_28] : memref<4x80xi32, #tpu.memory_space<vmem>> -> memref<1x80xi32, #tpu.memory_space<vmem>>
    %dma_start3A_30 = tpu.memref_squeeze %dma_start3A_29 : memref<1x80xi32, #tpu.memory_space<vmem>> -> memref<80xi32, #tpu.memory_space<vmem>>
    %dma_start3A_31 = tpu.memref_slice %arg4[%add3A_26] : memref<10000xi32, #tpu.memory_space<hbm>> -> memref<80xi32, #tpu.memory_space<hbm>>
    %dma_start3A_32 = arith.constant 0 : i32
    %dma_start3A_33 = tpu.memref_slice %arg9[%dma_start3A_27, %dma_start3A_32] : memref<4x80xi32, #tpu.memory_space<vmem>> -> memref<1x80xi32, #tpu.memory_space<vmem>>
    %dma_start3A_34 = tpu.memref_squeeze %dma_start3A_33 : memref<1x80xi32, #tpu.memory_space<vmem>> -> memref<80xi32, #tpu.memory_space<vmem>>
    %dma_start3A_35 = tpu.memref_slice %arg4[%add3A_26] : memref<10000xi32, #tpu.memory_space<hbm>> -> memref<80xi32, #tpu.memory_space<hbm>>
    tpu.enqueue_dma source(%dma_start3A_35 : memref<80xi32, #tpu.memory_space<hbm>>) target(%dma_start3A_34 : memref<80xi32, #tpu.memory_space<vmem>>) target_semaphore(%arg14 : memref<!tpu.dma_semaphore, #tpu.memory_space<semaphore_mem>>)
    %add3A_36 = arith.constant 240 : i32
    %add3A_37 = arith.addi %min3A_3, %add3A_36 : i32
    %dma_start3A_38 = arith.constant 3 : i32
    %dma_start3A_39 = arith.constant 0 : i32
    %dma_start3A_40 = tpu.memref_slice %arg9[%dma_start3A_38, %dma_start3A_39] : memref<4x80xi32, #tpu.memory_space<vmem>> -> memref<1x80xi32, #tpu.memory_space<vmem>>
    %dma_start3A_41 = tpu.memref_squeeze %dma_start3A_40 : memref<1x80xi32, #tpu.memory_space<vmem>> -> memref<80xi32, #tpu.memory_space<vmem>>
    %dma_start3A_42 = tpu.memref_slice %arg4[%add3A_37] : memref<10000xi32, #tpu.memory_space<hbm>> -> memref<80xi32, #tpu.memory_space<hbm>>
    %dma_start3A_43 = arith.constant 0 : i32
    %dma_start3A_44 = tpu.memref_slice %arg9[%dma_start3A_38, %dma_start3A_43] : memref<4x80xi32, #tpu.memory_space<vmem>> -> memref<1x80xi32, #tpu.memory_space<vmem>>
    %dma_start3A_45 = tpu.memref_squeeze %dma_start3A_44 : memref<1x80xi32, #tpu.memory_space<vmem>> -> memref<80xi32, #tpu.memory_space<vmem>>
    %dma_start3A_46 = tpu.memref_slice %arg4[%add3A_37] : memref<10000xi32, #tpu.memory_space<hbm>> -> memref<80xi32, #tpu.memory_space<hbm>>
    tpu.enqueue_dma source(%dma_start3A_46 : memref<80xi32, #tpu.memory_space<hbm>>) target(%dma_start3A_45 : memref<80xi32, #tpu.memory_space<vmem>>) target_semaphore(%arg14 : memref<!tpu.dma_semaphore, #tpu.memory_space<semaphore_mem>>)
    %mul3A_47 = arith.constant 79 : i32
    %mul3A_48 = arith.muli %add3A, %mul3A_47 : i32
    %min3A_49 = arith.constant 2421 : i32
    %min3A_50 = arith.minsi %mul3A_48, %min3A_49 : i32
    %mul3A_51 = arith.constant 128 : i32
    %mul3A_52 = arith.muli %min3A_50, %mul3A_51 : i32
    %dma_start3A_53 = arith.constant 0 : i32
    %dma_start3A_54 = tpu.memref_slice %arg3[%dma_start3A_53, %mul3A_52] : memref<2x320000xi32, #tpu.memory_space<hbm>> -> memref<2x10112xi32, #tpu.memory_space<hbm>>
    %dma_start3A_55 = arith.constant 0 : i32
    %dma_start3A_56 = tpu.memref_slice %arg3[%dma_start3A_55, %mul3A_52] : memref<2x320000xi32, #tpu.memory_space<hbm>> -> memref<2x10112xi32, #tpu.memory_space<hbm>>
    tpu.enqueue_dma source(%dma_start3A_56 : memref<2x10112xi32, #tpu.memory_space<hbm>>) target(%arg11 : memref<2x10112xi32, #tpu.memory_space<vmem>>) target_semaphore(%arg15 : memref<!tpu.dma_semaphore, #tpu.memory_space<semaphore_mem>>)
    tpu.enqueue_dma source(%arg4 : memref<10000xi32, #tpu.memory_space<hbm>>) target(%arg7 : memref<10000xi32, #tpu.memory_space<vmem>>) target_semaphore(%arg13 : memref<!tpu.dma_semaphore, #tpu.memory_space<semaphore_mem>>)
    %dma_wait3A = arith.constant 0 : i32
    %dma_wait3A_57 = arith.constant 0 : i32
    %dma_wait3A_58 = tpu.memref_slice %arg9[%dma_wait3A, %dma_wait3A_57] : memref<4x80xi32, #tpu.memory_space<vmem>> -> memref<1x80xi32, #tpu.memory_space<vmem>>
    %dma_wait3A_59 = tpu.memref_squeeze %dma_wait3A_58 : memref<1x80xi32, #tpu.memory_space<vmem>> -> memref<80xi32, #tpu.memory_space<vmem>>
    %dma_wait3A_60 = tpu.memref_slice %arg4[%add3A_5] : memref<10000xi32, #tpu.memory_space<hbm>> -> memref<80xi32, #tpu.memory_space<hbm>>
    %dma_wait3A_61 = arith.constant 0 : i32
    %dma_wait3A_62 = tpu.memref_slice %arg9[%dma_wait3A, %dma_wait3A_61] : memref<4x80xi32, #tpu.memory_space<vmem>> -> memref<1x80xi32, #tpu.memory_space<vmem>>
    %dma_wait3A_63 = tpu.memref_squeeze %dma_wait3A_62 : memref<1x80xi32, #tpu.memory_space<vmem>> -> memref<80xi32, #tpu.memory_space<vmem>>
    %dma_wait3A_64 = tpu.memref_slice %arg4[%add3A_5] : memref<10000xi32, #tpu.memory_space<hbm>> -> memref<80xi32, #tpu.memory_space<hbm>>
    tpu.wait_dma2 semaphore(%arg14 : memref<!tpu.dma_semaphore, #tpu.memory_space<semaphore_mem>>) src(%dma_wait3A_64 : memref<80xi32, #tpu.memory_space<hbm>>) dst(%dma_wait3A_63 : memref<80xi32, #tpu.memory_space<vmem>>)
    %dma_start3A_65 = arith.constant 0 : i32
    %dma_start3A_66 = arith.constant 0 : i32
    %dma_start3A_67 = arith.constant 0 : i32
    %dma_start3A_68 = tpu.memref_slice %arg10[%dma_start3A_66, %dma_start3A_67] : memref<320x128xf32, #tpu.memory_space<vmem>> -> memref<80x128xf32, #tpu.memory_space<vmem>>
    %dma_start3A_69 = arith.constant 0 : i32
    %dma_start3A_70 = tpu.memref_slice %arg9[%dma_start3A_65, %dma_start3A_69] : memref<4x80xi32, #tpu.memory_space<vmem>> -> memref<1x80xi32, #tpu.memory_space<vmem>>
    %dma_start3A_71 = tpu.memref_squeeze %dma_start3A_70 : memref<1x80xi32, #tpu.memory_space<vmem>> -> memref<80xi32, #tpu.memory_space<vmem>>
    %dma_start3A_72 = arith.constant 0 : i32
    %dma_start3A_73 = arith.constant 0 : i32
    %dma_start3A_74 = tpu.memref_slice %arg2[%dma_start3A_72, %dma_start3A_73] : memref<10000x128xf32, #tpu.memory_space<hbm>> -> memref<10000x128xf32, #tpu.memory_space<hbm>>
    tpu.enqueue_indirect_dma source(%dma_start3A_74 : memref<10000x128xf32, #tpu.memory_space<hbm>>) target(%dma_start3A_68 : memref<80x128xf32, #tpu.memory_space<vmem>>) offsets(%dma_start3A_71 : memref<80xi32, #tpu.memory_space<vmem>>) semaphore(%arg16 : memref<!tpu.dma_semaphore, #tpu.memory_space<semaphore_mem>>)
    %dma_wait3A_75 = arith.constant 1 : i32
    %dma_wait3A_76 = arith.constant 0 : i32
    %dma_wait3A_77 = tpu.memref_slice %arg9[%dma_wait3A_75, %dma_wait3A_76] : memref<4x80xi32, #tpu.memory_space<vmem>> -> memref<1x80xi32, #tpu.memory_space<vmem>>
    %dma_wait3A_78 = tpu.memref_squeeze %dma_wait3A_77 : memref<1x80xi32, #tpu.memory_space<vmem>> -> memref<80xi32, #tpu.memory_space<vmem>>
    %dma_wait3A_79 = tpu.memref_slice %arg4[%add3A_15] : memref<10000xi32, #tpu.memory_space<hbm>> -> memref<80xi32, #tpu.memory_space<hbm>>
    %dma_wait3A_80 = arith.constant 0 : i32
    %dma_wait3A_81 = tpu.memref_slice %arg9[%dma_wait3A_75, %dma_wait3A_80] : memref<4x80xi32, #tpu.memory_space<vmem>> -> memref<1x80xi32, #tpu.memory_space<vmem>>
    %dma_wait3A_82 = tpu.memref_squeeze %dma_wait3A_81 : memref<1x80xi32, #tpu.memory_space<vmem>> -> memref<80xi32, #tpu.memory_space<vmem>>
    %dma_wait3A_83 = tpu.memref_slice %arg4[%add3A_15] : memref<10000xi32, #tpu.memory_space<hbm>> -> memref<80xi32, #tpu.memory_space<hbm>>
    tpu.wait_dma2 semaphore(%arg14 : memref<!tpu.dma_semaphore, #tpu.memory_space<semaphore_mem>>) src(%dma_wait3A_83 : memref<80xi32, #tpu.memory_space<hbm>>) dst(%dma_wait3A_82 : memref<80xi32, #tpu.memory_space<vmem>>)
    %dma_start3A_84 = arith.constant 1 : i32
    %dma_start3A_85 = arith.constant 80 : i32
    %dma_start3A_86 = arith.constant 0 : i32
    %dma_start3A_87 = tpu.memref_slice %arg10[%dma_start3A_85, %dma_start3A_86] : memref<320x128xf32, #tpu.memory_space<vmem>> -> memref<80x128xf32, #tpu.memory_space<vmem>>
    %dma_start3A_88 = arith.constant 0 : i32
    %dma_start3A_89 = tpu.memref_slice %arg9[%dma_start3A_84, %dma_start3A_88] : memref<4x80xi32, #tpu.memory_space<vmem>> -> memref<1x80xi32, #tpu.memory_space<vmem>>
    %dma_start3A_90 = tpu.memref_squeeze %dma_start3A_89 : memref<1x80xi32, #tpu.memory_space<vmem>> -> memref<80xi32, #tpu.memory_space<vmem>>
    %dma_start3A_91 = arith.constant 0 : i32
    %dma_start3A_92 = arith.constant 0 : i32
    %dma_start3A_93 = tpu.memref_slice %arg2[%dma_start3A_91, %dma_start3A_92] : memref<10000x128xf32, #tpu.memory_space<hbm>> -> memref<10000x128xf32, #tpu.memory_space<hbm>>
    tpu.enqueue_indirect_dma source(%dma_start3A_93 : memref<10000x128xf32, #tpu.memory_space<hbm>>) target(%dma_start3A_87 : memref<80x128xf32, #tpu.memory_space<vmem>>) offsets(%dma_start3A_90 : memref<80xi32, #tpu.memory_space<vmem>>) semaphore(%arg16 : memref<!tpu.dma_semaphore, #tpu.memory_space<semaphore_mem>>)
    %dma_wait3A_94 = arith.constant 2 : i32
    %dma_wait3A_95 = arith.constant 0 : i32
    %dma_wait3A_96 = tpu.memref_slice %arg9[%dma_wait3A_94, %dma_wait3A_95] : memref<4x80xi32, #tpu.memory_space<vmem>> -> memref<1x80xi32, #tpu.memory_space<vmem>>
    %dma_wait3A_97 = tpu.memref_squeeze %dma_wait3A_96 : memref<1x80xi32, #tpu.memory_space<vmem>> -> memref<80xi32, #tpu.memory_space<vmem>>
    %dma_wait3A_98 = tpu.memref_slice %arg4[%add3A_26] : memref<10000xi32, #tpu.memory_space<hbm>> -> memref<80xi32, #tpu.memory_space<hbm>>
    %dma_wait3A_99 = arith.constant 0 : i32
    %dma_wait3A_100 = tpu.memref_slice %arg9[%dma_wait3A_94, %dma_wait3A_99] : memref<4x80xi32, #tpu.memory_space<vmem>> -> memref<1x80xi32, #tpu.memory_space<vmem>>
    %dma_wait3A_101 = tpu.memref_squeeze %dma_wait3A_100 : memref<1x80xi32, #tpu.memory_space<vmem>> -> memref<80xi32, #tpu.memory_space<vmem>>
    %dma_wait3A_102 = tpu.memref_slice %arg4[%add3A_26] : memref<10000xi32, #tpu.memory_space<hbm>> -> memref<80xi32, #tpu.memory_space<hbm>>
    tpu.wait_dma2 semaphore(%arg14 : memref<!tpu.dma_semaphore, #tpu.memory_space<semaphore_mem>>) src(%dma_wait3A_102 : memref<80xi32, #tpu.memory_space<hbm>>) dst(%dma_wait3A_101 : memref<80xi32, #tpu.memory_space<vmem>>)
    %dma_start3A_103 = arith.constant 2 : i32
    %dma_start3A_104 = arith.constant 160 : i32
    %dma_start3A_105 = arith.constant 0 : i32
    %dma_start3A_106 = tpu.memref_slice %arg10[%dma_start3A_104, %dma_start3A_105] : memref<320x128xf32, #tpu.memory_space<vmem>> -> memref<80x128xf32, #tpu.memory_space<vmem>>
    %dma_start3A_107 = arith.constant 0 : i32
    %dma_start3A_108 = tpu.memref_slice %arg9[%dma_start3A_103, %dma_start3A_107] : memref<4x80xi32, #tpu.memory_space<vmem>> -> memref<1x80xi32, #tpu.memory_space<vmem>>
    %dma_start3A_109 = tpu.memref_squeeze %dma_start3A_108 : memref<1x80xi32, #tpu.memory_space<vmem>> -> memref<80xi32, #tpu.memory_space<vmem>>
    %dma_start3A_110 = arith.constant 0 : i32
    %dma_start3A_111 = arith.constant 0 : i32
    %dma_start3A_112 = tpu.memref_slice %arg2[%dma_start3A_110, %dma_start3A_111] : memref<10000x128xf32, #tpu.memory_space<hbm>> -> memref<10000x128xf32, #tpu.memory_space<hbm>>
    tpu.enqueue_indirect_dma source(%dma_start3A_112 : memref<10000x128xf32, #tpu.memory_space<hbm>>) target(%dma_start3A_106 : memref<80x128xf32, #tpu.memory_space<vmem>>) offsets(%dma_start3A_109 : memref<80xi32, #tpu.memory_space<vmem>>) semaphore(%arg16 : memref<!tpu.dma_semaphore, #tpu.memory_space<semaphore_mem>>)
    %dma_wait3A_113 = arith.constant 3 : i32
    %dma_wait3A_114 = arith.constant 0 : i32
    %dma_wait3A_115 = tpu.memref_slice %arg9[%dma_wait3A_113, %dma_wait3A_114] : memref<4x80xi32, #tpu.memory_space<vmem>> -> memref<1x80xi32, #tpu.memory_space<vmem>>
    %dma_wait3A_116 = tpu.memref_squeeze %dma_wait3A_115 : memref<1x80xi32, #tpu.memory_space<vmem>> -> memref<80xi32, #tpu.memory_space<vmem>>
    %dma_wait3A_117 = tpu.memref_slice %arg4[%add3A_37] : memref<10000xi32, #tpu.memory_space<hbm>> -> memref<80xi32, #tpu.memory_space<hbm>>
    %dma_wait3A_118 = arith.constant 0 : i32
    %dma_wait3A_119 = tpu.memref_slice %arg9[%dma_wait3A_113, %dma_wait3A_118] : memref<4x80xi32, #tpu.memory_space<vmem>> -> memref<1x80xi32, #tpu.memory_space<vmem>>
    %dma_wait3A_120 = tpu.memref_squeeze %dma_wait3A_119 : memref<1x80xi32, #tpu.memory_space<vmem>> -> memref<80xi32, #tpu.memory_space<vmem>>
    %dma_wait3A_121 = tpu.memref_slice %arg4[%add3A_37] : memref<10000xi32, #tpu.memory_space<hbm>> -> memref<80xi32, #tpu.memory_space<hbm>>
    tpu.wait_dma2 semaphore(%arg14 : memref<!tpu.dma_semaphore, #tpu.memory_space<semaphore_mem>>) src(%dma_wait3A_121 : memref<80xi32, #tpu.memory_space<hbm>>) dst(%dma_wait3A_120 : memref<80xi32, #tpu.memory_space<vmem>>)
    %dma_start3A_122 = arith.constant 3 : i32
    %dma_start3A_123 = arith.constant 240 : i32
    %dma_start3A_124 = arith.constant 0 : i32
    %dma_start3A_125 = tpu.memref_slice %arg10[%dma_start3A_123, %dma_start3A_124] : memref<320x128xf32, #tpu.memory_space<vmem>> -> memref<80x128xf32, #tpu.memory_space<vmem>>
    %dma_start3A_126 = arith.constant 0 : i32
    %dma_start3A_127 = tpu.memref_slice %arg9[%dma_start3A_122, %dma_start3A_126] : memref<4x80xi32, #tpu.memory_space<vmem>> -> memref<1x80xi32, #tpu.memory_space<vmem>>
    %dma_start3A_128 = tpu.memref_squeeze %dma_start3A_127 : memref<1x80xi32, #tpu.memory_space<vmem>> -> memref<80xi32, #tpu.memory_space<vmem>>
    %dma_start3A_129 = arith.constant 0 : i32
    %dma_start3A_130 = arith.constant 0 : i32
    %dma_start3A_131 = tpu.memref_slice %arg2[%dma_start3A_129, %dma_start3A_130] : memref<10000x128xf32, #tpu.memory_space<hbm>> -> memref<10000x128xf32, #tpu.memory_space<hbm>>
    tpu.enqueue_indirect_dma source(%dma_start3A_131 : memref<10000x128xf32, #tpu.memory_space<hbm>>) target(%dma_start3A_125 : memref<80x128xf32, #tpu.memory_space<vmem>>) offsets(%dma_start3A_128 : memref<80xi32, #tpu.memory_space<vmem>>) semaphore(%arg16 : memref<!tpu.dma_semaphore, #tpu.memory_space<semaphore_mem>>)
    tpu.wait_dma2 semaphore(%arg13 : memref<!tpu.dma_semaphore, #tpu.memory_space<semaphore_mem>>) src(%arg4 : memref<10000xi32, #tpu.memory_space<hbm>>) dst(%arg7 : memref<10000xi32, #tpu.memory_space<vmem>>)
    %parallel_loop3A = arith.constant 0 : i32
    %parallel_loop3A_132 = arith.constant 625 : i32
    %parallel_loop3A_133 = arith.constant 1 : i32
    scf.for %parallel_loop3A_322 = %parallel_loop3A to %parallel_loop3A_132 step %parallel_loop3A_133  : i32 {
      %parallel_loop3A_323 = arith.constant 16 : i32
      %parallel_loop3A_324 = arith.muli %parallel_loop3A_322, %parallel_loop3A_323 : i32
      %parallel_loop3A_325 = arith.index_cast %parallel_loop3A_324 : i32 to index
      %parallel_loop3A_326 = tpu.vector_load %arg7[%parallel_loop3A_325] {strides = array<i32>} : memref<10000xi32, #tpu.memory_space<vmem>>, vector<16xi32>,
      %parallel_loop3A_327 = tpu.iota {dimensions = array<i32: 0>} : vector<16xi32>
      %parallel_loop3A_328 = arith.constant 16 : i32
      %parallel_loop3A_329 = arith.muli %parallel_loop3A_322, %parallel_loop3A_328 : i32
      %parallel_loop3A_330 = vector.broadcast %parallel_loop3A_329 : i32 to vector<16xi32>
      %parallel_loop3A_331 = arith.addi %parallel_loop3A_327, %parallel_loop3A_330 : vector<16xi32>
      tpu.vector_store_idx %arg8[%parallel_loop3A_326], %parallel_loop3A_331 : memref<10000xi32, #tpu.memory_space<vmem>>[vector<16xi32>], vector<16xi32>,
    } {sc.loop_unroll_factor = 8 : i64, sc.parallel_access}
    %dma_wait3A_134 = arith.constant 0 : i32
    %dma_wait3A_135 = tpu.memref_slice %arg3[%dma_wait3A_134, %mul3A_52] : memref<2x320000xi32, #tpu.memory_space<hbm>> -> memref<2x10112xi32, #tpu.memory_space<hbm>>
    %dma_wait3A_136 = arith.constant 0 : i32
    %dma_wait3A_137 = tpu.memref_slice %arg3[%dma_wait3A_136, %mul3A_52] : memref<2x320000xi32, #tpu.memory_space<hbm>> -> memref<2x10112xi32, #tpu.memory_space<hbm>>
    tpu.wait_dma2 semaphore(%arg15 : memref<!tpu.dma_semaphore, #tpu.memory_space<semaphore_mem>>) src(%dma_wait3A_137 : memref<2x10112xi32, #tpu.memory_space<hbm>>) dst(%arg11 : memref<2x10112xi32, #tpu.memory_space<vmem>>)
    %parallel_loop3A_138 = arith.constant 0 : i32
    %parallel_loop3A_139 = arith.constant 320 : i32
    %parallel_loop3A_140 = arith.constant 1 : i32
    scf.for %parallel_loop3A_322 = %parallel_loop3A_138 to %parallel_loop3A_139 step %parallel_loop3A_140  : i32 {
      %parallel_loop3A_323 = arith.constant 16 : i32
      %parallel_loop3A_324 = arith.muli %parallel_loop3A_322, %parallel_loop3A_323 : i32
      %parallel_loop3A_325 = arith.constant 0 : i32
      %parallel_loop3A_326 = arith.index_cast %parallel_loop3A_325 : i32 to index
      %parallel_loop3A_327 = arith.index_cast %parallel_loop3A_324 : i32 to index
      %parallel_loop3A_328 = tpu.vector_load %arg11[%parallel_loop3A_326, %parallel_loop3A_327] {strides = array<i32>} : memref<2x10112xi32, #tpu.memory_space<vmem>>, vector<16xi32>,
      %parallel_loop3A_329 = tpu.vector_load_idx %arg8[%parallel_loop3A_328] : memref<10000xi32, #tpu.memory_space<vmem>>[vector<16xi32>], vector<16xi32>,
      %parallel_loop3A_330 = arith.constant 16 : i32
      %parallel_loop3A_331 = arith.muli %parallel_loop3A_322, %parallel_loop3A_330 : i32
      %parallel_loop3A_332 = arith.constant 0 : i32
      %parallel_loop3A_333 = arith.index_cast %parallel_loop3A_332 : i32 to index
      %parallel_loop3A_334 = arith.index_cast %parallel_loop3A_331 : i32 to index
      %parallel_loop3A_335 = tpu.vector_load %arg12[%parallel_loop3A_333, %parallel_loop3A_334] {strides = array<i32>} : memref<2x10112xi32, #tpu.memory_space<vmem>>, vector<16xi32>,
      tpu.vector_store %arg12[%parallel_loop3A_333, %parallel_loop3A_334], %parallel_loop3A_329 {strides = array<i32>} : memref<2x10112xi32, #tpu.memory_space<vmem>>, vector<16xi32>,
    } {sc.loop_unroll_factor = 8 : i64, sc.parallel_access}
    %parallel_loop3A_141 = arith.constant 0 : i32
    %parallel_loop3A_142 = arith.constant 320 : i32
    %parallel_loop3A_143 = arith.constant 1 : i32
    scf.for %parallel_loop3A_322 = %parallel_loop3A_141 to %parallel_loop3A_142 step %parallel_loop3A_143  : i32 {
      %parallel_loop3A_323 = arith.constant 16 : i32
      %parallel_loop3A_324 = arith.muli %parallel_loop3A_322, %parallel_loop3A_323 : i32
      %parallel_loop3A_325 = arith.constant 1 : i32
      %parallel_loop3A_326 = arith.index_cast %parallel_loop3A_325 : i32 to index
      %parallel_loop3A_327 = arith.index_cast %parallel_loop3A_324 : i32 to index
      %parallel_loop3A_328 = tpu.vector_load %arg11[%parallel_loop3A_326, %parallel_loop3A_327] {strides = array<i32>} : memref<2x10112xi32, #tpu.memory_space<vmem>>, vector<16xi32>,
      %parallel_loop3A_329 = tpu.vector_load_idx %arg8[%parallel_loop3A_328] : memref<10000xi32, #tpu.memory_space<vmem>>[vector<16xi32>], vector<16xi32>,
      %parallel_loop3A_330 = arith.constant 16 : i32
      %parallel_loop3A_331 = arith.muli %parallel_loop3A_322, %parallel_loop3A_330 : i32
      %parallel_loop3A_332 = arith.constant 1 : i32
      %parallel_loop3A_333 = arith.index_cast %parallel_loop3A_332 : i32 to index
      %parallel_loop3A_334 = arith.index_cast %parallel_loop3A_331 : i32 to index
      %parallel_loop3A_335 = tpu.vector_load %arg12[%parallel_loop3A_333, %parallel_loop3A_334] {strides = array<i32>} : memref<2x10112xi32, #tpu.memory_space<vmem>>, vector<16xi32>,
      tpu.vector_store %arg12[%parallel_loop3A_333, %parallel_loop3A_334], %parallel_loop3A_329 {strides = array<i32>} : memref<2x10112xi32, #tpu.memory_space<vmem>>, vector<16xi32>,
    } {sc.loop_unroll_factor = 8 : i64, sc.parallel_access}
    %add3A_144 = arith.constant 0 : i32
    %add3A_145 = arith.addi %mul3A_52, %add3A_144 : i32
    %dma_start3A_146 = arith.constant 0 : i32
    %dma_start3A_147 = arith.constant 0 : i32
    %dma_start3A_148 = tpu.memref_slice %arg12[%dma_start3A_146, %dma_start3A_147] : memref<2x10112xi32, #tpu.memory_space<vmem>> -> memref<2x5120xi32, #tpu.memory_space<vmem>>
    %dma_start3A_149 = arith.constant 0 : i32
    %dma_start3A_150 = tpu.memref_slice %arg6[%dma_start3A_149, %add3A_145] : memref<2x320000xi32, #tpu.memory_space<hbm>> -> memref<2x5120xi32, #tpu.memory_space<hbm>>
    %dma_start3A_151 = arith.constant 0 : i32
    %dma_start3A_152 = tpu.memref_slice %arg6[%dma_start3A_151, %add3A_145] : memref<2x320000xi32, #tpu.memory_space<hbm>> -> memref<2x5120xi32, #tpu.memory_space<hbm>>
    %dma_start3A_153 = arith.constant 0 : i32
    %dma_start3A_154 = arith.constant 0 : i32
    %dma_start3A_155 = tpu.memref_slice %arg12[%dma_start3A_153, %dma_start3A_154] : memref<2x10112xi32, #tpu.memory_space<vmem>> -> memref<2x5120xi32, #tpu.memory_space<vmem>>
    tpu.enqueue_dma source(%dma_start3A_155 : memref<2x5120xi32, #tpu.memory_space<vmem>>) target(%dma_start3A_152 : memref<2x5120xi32, #tpu.memory_space<hbm>>) target_semaphore(%arg17 : memref<!tpu.dma_semaphore, #tpu.memory_space<semaphore_mem>>)
    %dma_wait3A_156 = arith.constant 0 : i32
    %dma_wait3A_157 = arith.constant 0 : i32
    %dma_wait3A_158 = arith.constant 0 : i32
    %dma_wait3A_159 = tpu.memref_slice %arg10[%dma_wait3A_157, %dma_wait3A_158] : memref<320x128xf32, #tpu.memory_space<vmem>> -> memref<80x128xf32, #tpu.memory_space<vmem>>
    %dma_wait3A_160 = arith.constant 0 : i32
    %dma_wait3A_161 = tpu.memref_slice %arg9[%dma_wait3A_156, %dma_wait3A_160] : memref<4x80xi32, #tpu.memory_space<vmem>> -> memref<1x80xi32, #tpu.memory_space<vmem>>
    %dma_wait3A_162 = tpu.memref_squeeze %dma_wait3A_161 : memref<1x80xi32, #tpu.memory_space<vmem>> -> memref<80xi32, #tpu.memory_space<vmem>>
    %dma_wait3A_163 = arith.constant 0 : i32
    %dma_wait3A_164 = arith.constant 0 : i32
    %dma_wait3A_165 = tpu.memref_slice %arg2[%dma_wait3A_163, %dma_wait3A_164] : memref<10000x128xf32, #tpu.memory_space<hbm>> -> memref<10000x128xf32, #tpu.memory_space<hbm>>
    tpu.wait_indirect_dma semaphore(%arg16 : memref<!tpu.dma_semaphore, #tpu.memory_space<semaphore_mem>>) src(%dma_wait3A_165 : memref<10000x128xf32, #tpu.memory_space<hbm>>) dst(%dma_wait3A_159 : memref<80x128xf32, #tpu.memory_space<vmem>>)
    %add3A_166 = arith.constant 0 : i32
    %add3A_167 = arith.addi %min3A_3, %add3A_166 : i32
    %dma_start3A_168 = arith.constant 0 : i32
    %dma_start3A_169 = arith.constant 0 : i32
    %dma_start3A_170 = tpu.memref_slice %arg10[%dma_start3A_168, %dma_start3A_169] : memref<320x128xf32, #tpu.memory_space<vmem>> -> memref<80x128xf32, #tpu.memory_space<vmem>>
    %dma_start3A_171 = arith.constant 0 : i32
    %dma_start3A_172 = tpu.memref_slice %arg5[%add3A_167, %dma_start3A_171] : memref<10000x128xf32, #tpu.memory_space<hbm>> -> memref<80x128xf32, #tpu.memory_space<hbm>>
    %dma_start3A_173 = arith.constant 0 : i32
    %dma_start3A_174 = tpu.memref_slice %arg5[%add3A_167, %dma_start3A_173] : memref<10000x128xf32, #tpu.memory_space<hbm>> -> memref<80x128xf32, #tpu.memory_space<hbm>>
    %dma_start3A_175 = arith.constant 0 : i32
    %dma_start3A_176 = arith.constant 0 : i32
    %dma_start3A_177 = tpu.memref_slice %arg10[%dma_start3A_175, %dma_start3A_176] : memref<320x128xf32, #tpu.memory_space<vmem>> -> memref<80x128xf32, #tpu.memory_space<vmem>>
    tpu.enqueue_dma source(%dma_start3A_177 : memref<80x128xf32, #tpu.memory_space<vmem>>) target(%dma_start3A_174 : memref<80x128xf32, #tpu.memory_space<hbm>>) target_semaphore(%arg18 : memref<!tpu.dma_semaphore, #tpu.memory_space<semaphore_mem>>)
    %dma_wait3A_178 = arith.constant 1 : i32
    %dma_wait3A_179 = arith.constant 80 : i32
    %dma_wait3A_180 = arith.constant 0 : i32
    %dma_wait3A_181 = tpu.memref_slice %arg10[%dma_wait3A_179, %dma_wait3A_180] : memref<320x128xf32, #tpu.memory_space<vmem>> -> memref<80x128xf32, #tpu.memory_space<vmem>>
    %dma_wait3A_182 = arith.constant 0 : i32
    %dma_wait3A_183 = tpu.memref_slice %arg9[%dma_wait3A_178, %dma_wait3A_182] : memref<4x80xi32, #tpu.memory_space<vmem>> -> memref<1x80xi32, #tpu.memory_space<vmem>>
    %dma_wait3A_184 = tpu.memref_squeeze %dma_wait3A_183 : memref<1x80xi32, #tpu.memory_space<vmem>> -> memref<80xi32, #tpu.memory_space<vmem>>
    %dma_wait3A_185 = arith.constant 0 : i32
    %dma_wait3A_186 = arith.constant 0 : i32
    %dma_wait3A_187 = tpu.memref_slice %arg2[%dma_wait3A_185, %dma_wait3A_186] : memref<10000x128xf32, #tpu.memory_space<hbm>> -> memref<10000x128xf32, #tpu.memory_space<hbm>>
    tpu.wait_indirect_dma semaphore(%arg16 : memref<!tpu.dma_semaphore, #tpu.memory_space<semaphore_mem>>) src(%dma_wait3A_187 : memref<10000x128xf32, #tpu.memory_space<hbm>>) dst(%dma_wait3A_181 : memref<80x128xf32, #tpu.memory_space<vmem>>)
    %add3A_188 = arith.constant 80 : i32
    %add3A_189 = arith.addi %min3A_3, %add3A_188 : i32
    %dma_start3A_190 = arith.constant 80 : i32
    %dma_start3A_191 = arith.constant 0 : i32
    %dma_start3A_192 = tpu.memref_slice %arg10[%dma_start3A_190, %dma_start3A_191] : memref<320x128xf32, #tpu.memory_space<vmem>> -> memref<80x128xf32, #tpu.memory_space<vmem>>
    %dma_start3A_193 = arith.constant 0 : i32
    %dma_start3A_194 = tpu.memref_slice %arg5[%add3A_189, %dma_start3A_193] : memref<10000x128xf32, #tpu.memory_space<hbm>> -> memref<80x128xf32, #tpu.memory_space<hbm>>
    %dma_start3A_195 = arith.constant 0 : i32
    %dma_start3A_196 = tpu.memref_slice %arg5[%add3A_189, %dma_start3A_195] : memref<10000x128xf32, #tpu.memory_space<hbm>> -> memref<80x128xf32, #tpu.memory_space<hbm>>
    %dma_start3A_197 = arith.constant 80 : i32
    %dma_start3A_198 = arith.constant 0 : i32
    %dma_start3A_199 = tpu.memref_slice %arg10[%dma_start3A_197, %dma_start3A_198] : memref<320x128xf32, #tpu.memory_space<vmem>> -> memref<80x128xf32, #tpu.memory_space<vmem>>
    tpu.enqueue_dma source(%dma_start3A_199 : memref<80x128xf32, #tpu.memory_space<vmem>>) target(%dma_start3A_196 : memref<80x128xf32, #tpu.memory_space<hbm>>) target_semaphore(%arg18 : memref<!tpu.dma_semaphore, #tpu.memory_space<semaphore_mem>>)
    %dma_wait3A_200 = arith.constant 2 : i32
    %dma_wait3A_201 = arith.constant 160 : i32
    %dma_wait3A_202 = arith.constant 0 : i32
    %dma_wait3A_203 = tpu.memref_slice %arg10[%dma_wait3A_201, %dma_wait3A_202] : memref<320x128xf32, #tpu.memory_space<vmem>> -> memref<80x128xf32, #tpu.memory_space<vmem>>
    %dma_wait3A_204 = arith.constant 0 : i32
    %dma_wait3A_205 = tpu.memref_slice %arg9[%dma_wait3A_200, %dma_wait3A_204] : memref<4x80xi32, #tpu.memory_space<vmem>> -> memref<1x80xi32, #tpu.memory_space<vmem>>
    %dma_wait3A_206 = tpu.memref_squeeze %dma_wait3A_205 : memref<1x80xi32, #tpu.memory_space<vmem>> -> memref<80xi32, #tpu.memory_space<vmem>>
    %dma_wait3A_207 = arith.constant 0 : i32
    %dma_wait3A_208 = arith.constant 0 : i32
    %dma_wait3A_209 = tpu.memref_slice %arg2[%dma_wait3A_207, %dma_wait3A_208] : memref<10000x128xf32, #tpu.memory_space<hbm>> -> memref<10000x128xf32, #tpu.memory_space<hbm>>
    tpu.wait_indirect_dma semaphore(%arg16 : memref<!tpu.dma_semaphore, #tpu.memory_space<semaphore_mem>>) src(%dma_wait3A_209 : memref<10000x128xf32, #tpu.memory_space<hbm>>) dst(%dma_wait3A_203 : memref<80x128xf32, #tpu.memory_space<vmem>>)
    %add3A_210 = arith.constant 160 : i32
    %add3A_211 = arith.addi %min3A_3, %add3A_210 : i32
    %dma_start3A_212 = arith.constant 160 : i32
    %dma_start3A_213 = arith.constant 0 : i32
    %dma_start3A_214 = tpu.memref_slice %arg10[%dma_start3A_212, %dma_start3A_213] : memref<320x128xf32, #tpu.memory_space<vmem>> -> memref<80x128xf32, #tpu.memory_space<vmem>>
    %dma_start3A_215 = arith.constant 0 : i32
    %dma_start3A_216 = tpu.memref_slice %arg5[%add3A_211, %dma_start3A_215] : memref<10000x128xf32, #tpu.memory_space<hbm>> -> memref<80x128xf32, #tpu.memory_space<hbm>>
    %dma_start3A_217 = arith.constant 0 : i32
    %dma_start3A_218 = tpu.memref_slice %arg5[%add3A_211, %dma_start3A_217] : memref<10000x128xf32, #tpu.memory_space<hbm>> -> memref<80x128xf32, #tpu.memory_space<hbm>>
    %dma_start3A_219 = arith.constant 160 : i32
    %dma_start3A_220 = arith.constant 0 : i32
    %dma_start3A_221 = tpu.memref_slice %arg10[%dma_start3A_219, %dma_start3A_220] : memref<320x128xf32, #tpu.memory_space<vmem>> -> memref<80x128xf32, #tpu.memory_space<vmem>>
    tpu.enqueue_dma source(%dma_start3A_221 : memref<80x128xf32, #tpu.memory_space<vmem>>) target(%dma_start3A_218 : memref<80x128xf32, #tpu.memory_space<hbm>>) target_semaphore(%arg18 : memref<!tpu.dma_semaphore, #tpu.memory_space<semaphore_mem>>)
    %dma_wait3A_222 = arith.constant 3 : i32
    %dma_wait3A_223 = arith.constant 240 : i32
    %dma_wait3A_224 = arith.constant 0 : i32
    %dma_wait3A_225 = tpu.memref_slice %arg10[%dma_wait3A_223, %dma_wait3A_224] : memref<320x128xf32, #tpu.memory_space<vmem>> -> memref<80x128xf32, #tpu.memory_space<vmem>>
    %dma_wait3A_226 = arith.constant 0 : i32
    %dma_wait3A_227 = tpu.memref_slice %arg9[%dma_wait3A_222, %dma_wait3A_226] : memref<4x80xi32, #tpu.memory_space<vmem>> -> memref<1x80xi32, #tpu.memory_space<vmem>>
    %dma_wait3A_228 = tpu.memref_squeeze %dma_wait3A_227 : memref<1x80xi32, #tpu.memory_space<vmem>> -> memref<80xi32, #tpu.memory_space<vmem>>
    %dma_wait3A_229 = arith.constant 0 : i32
    %dma_wait3A_230 = arith.constant 0 : i32
    %dma_wait3A_231 = tpu.memref_slice %arg2[%dma_wait3A_229, %dma_wait3A_230] : memref<10000x128xf32, #tpu.memory_space<hbm>> -> memref<10000x128xf32, #tpu.memory_space<hbm>>
    tpu.wait_indirect_dma semaphore(%arg16 : memref<!tpu.dma_semaphore, #tpu.memory_space<semaphore_mem>>) src(%dma_wait3A_231 : memref<10000x128xf32, #tpu.memory_space<hbm>>) dst(%dma_wait3A_225 : memref<80x128xf32, #tpu.memory_space<vmem>>)
    %add3A_232 = arith.constant 240 : i32
    %add3A_233 = arith.addi %min3A_3, %add3A_232 : i32
    %dma_start3A_234 = arith.constant 240 : i32
    %dma_start3A_235 = arith.constant 0 : i32
    %dma_start3A_236 = tpu.memref_slice %arg10[%dma_start3A_234, %dma_start3A_235] : memref<320x128xf32, #tpu.memory_space<vmem>> -> memref<80x128xf32, #tpu.memory_space<vmem>>
    %dma_start3A_237 = arith.constant 0 : i32
    %dma_start3A_238 = tpu.memref_slice %arg5[%add3A_233, %dma_start3A_237] : memref<10000x128xf32, #tpu.memory_space<hbm>> -> memref<80x128xf32, #tpu.memory_space<hbm>>
    %dma_start3A_239 = arith.constant 0 : i32
    %dma_start3A_240 = tpu.memref_slice %arg5[%add3A_233, %dma_start3A_239] : memref<10000x128xf32, #tpu.memory_space<hbm>> -> memref<80x128xf32, #tpu.memory_space<hbm>>
    %dma_start3A_241 = arith.constant 240 : i32
    %dma_start3A_242 = arith.constant 0 : i32
    %dma_start3A_243 = tpu.memref_slice %arg10[%dma_start3A_241, %dma_start3A_242] : memref<320x128xf32, #tpu.memory_space<vmem>> -> memref<80x128xf32, #tpu.memory_space<vmem>>
    tpu.enqueue_dma source(%dma_start3A_243 : memref<80x128xf32, #tpu.memory_space<vmem>>) target(%dma_start3A_240 : memref<80x128xf32, #tpu.memory_space<hbm>>) target_semaphore(%arg18 : memref<!tpu.dma_semaphore, #tpu.memory_space<semaphore_mem>>)
    %parallel_loop3A_244 = arith.constant 320 : i32
    %parallel_loop3A_245 = arith.constant 632 : i32
    %parallel_loop3A_246 = arith.constant 1 : i32
    scf.for %parallel_loop3A_322 = %parallel_loop3A_244 to %parallel_loop3A_245 step %parallel_loop3A_246  : i32 {
      %parallel_loop3A_323 = arith.constant 16 : i32
      %parallel_loop3A_324 = arith.muli %parallel_loop3A_322, %parallel_loop3A_323 : i32
      %parallel_loop3A_325 = arith.constant 0 : i32
      %parallel_loop3A_326 = arith.index_cast %parallel_loop3A_325 : i32 to index
      %parallel_loop3A_327 = arith.index_cast %parallel_loop3A_324 : i32 to index
      %parallel_loop3A_328 = tpu.vector_load %arg11[%parallel_loop3A_326, %parallel_loop3A_327] {strides = array<i32>} : memref<2x10112xi32, #tpu.memory_space<vmem>>, vector<16xi32>,
      %parallel_loop3A_329 = tpu.vector_load_idx %arg8[%parallel_loop3A_328] : memref<10000xi32, #tpu.memory_space<vmem>>[vector<16xi32>], vector<16xi32>,
      %parallel_loop3A_330 = arith.constant 16 : i32
      %parallel_loop3A_331 = arith.muli %parallel_loop3A_322, %parallel_loop3A_330 : i32
      %parallel_loop3A_332 = arith.constant 0 : i32
      %parallel_loop3A_333 = arith.index_cast %parallel_loop3A_332 : i32 to index
      %parallel_loop3A_334 = arith.index_cast %parallel_loop3A_331 : i32 to index
      %parallel_loop3A_335 = tpu.vector_load %arg12[%parallel_loop3A_333, %parallel_loop3A_334] {strides = array<i32>} : memref<2x10112xi32, #tpu.memory_space<vmem>>, vector<16xi32>,
      tpu.vector_store %arg12[%parallel_loop3A_333, %parallel_loop3A_334], %parallel_loop3A_329 {strides = array<i32>} : memref<2x10112xi32, #tpu.memory_space<vmem>>, vector<16xi32>,
    } {sc.loop_unroll_factor = 8 : i64, sc.parallel_access}
    %parallel_loop3A_247 = arith.constant 320 : i32
    %parallel_loop3A_248 = arith.constant 632 : i32
    %parallel_loop3A_249 = arith.constant 1 : i32
    scf.for %parallel_loop3A_322 = %parallel_loop3A_247 to %parallel_loop3A_248 step %parallel_loop3A_249  : i32 {
      %parallel_loop3A_323 = arith.constant 16 : i32
      %parallel_loop3A_324 = arith.muli %parallel_loop3A_322, %parallel_loop3A_323 : i32
      %parallel_loop3A_325 = arith.constant 1 : i32
      %parallel_loop3A_326 = arith.index_cast %parallel_loop3A_325 : i32 to index
      %parallel_loop3A_327 = arith.index_cast %parallel_loop3A_324 : i32 to index
      %parallel_loop3A_328 = tpu.vector_load %arg11[%parallel_loop3A_326, %parallel_loop3A_327] {strides = array<i32>} : memref<2x10112xi32, #tpu.memory_space<vmem>>, vector<16xi32>,
      %parallel_loop3A_329 = tpu.vector_load_idx %arg8[%parallel_loop3A_328] : memref<10000xi32, #tpu.memory_space<vmem>>[vector<16xi32>], vector<16xi32>,
      %parallel_loop3A_330 = arith.constant 16 : i32
      %parallel_loop3A_331 = arith.muli %parallel_loop3A_322, %parallel_loop3A_330 : i32
      %parallel_loop3A_332 = arith.constant 1 : i32
      %parallel_loop3A_333 = arith.index_cast %parallel_loop3A_332 : i32 to index
      %parallel_loop3A_334 = arith.index_cast %parallel_loop3A_331 : i32 to index
      %parallel_loop3A_335 = tpu.vector_load %arg12[%parallel_loop3A_333, %parallel_loop3A_334] {strides = array<i32>} : memref<2x10112xi32, #tpu.memory_space<vmem>>, vector<16xi32>,
      tpu.vector_store %arg12[%parallel_loop3A_333, %parallel_loop3A_334], %parallel_loop3A_329 {strides = array<i32>} : memref<2x10112xi32, #tpu.memory_space<vmem>>, vector<16xi32>,
    } {sc.loop_unroll_factor = 8 : i64, sc.parallel_access}
    %add3A_250 = arith.constant 5120 : i32
    %add3A_251 = arith.addi %mul3A_52, %add3A_250 : i32
    %dma_start3A_252 = arith.constant 0 : i32
    %dma_start3A_253 = arith.constant 5120 : i32
    %dma_start3A_254 = tpu.memref_slice %arg12[%dma_start3A_252, %dma_start3A_253] : memref<2x10112xi32, #tpu.memory_space<vmem>> -> memref<2x4992xi32, #tpu.memory_space<vmem>>
    %dma_start3A_255 = arith.constant 0 : i32
    %dma_start3A_256 = tpu.memref_slice %arg6[%dma_start3A_255, %add3A_251] : memref<2x320000xi32, #tpu.memory_space<hbm>> -> memref<2x4992xi32, #tpu.memory_space<hbm>>
    %dma_start3A_257 = arith.constant 0 : i32
    %dma_start3A_258 = tpu.memref_slice %arg6[%dma_start3A_257, %add3A_251] : memref<2x320000xi32, #tpu.memory_space<hbm>> -> memref<2x4992xi32, #tpu.memory_space<hbm>>
    %dma_start3A_259 = arith.constant 0 : i32
    %dma_start3A_260 = arith.constant 5120 : i32
    %dma_start3A_261 = tpu.memref_slice %arg12[%dma_start3A_259, %dma_start3A_260] : memref<2x10112xi32, #tpu.memory_space<vmem>> -> memref<2x4992xi32, #tpu.memory_space<vmem>>
    tpu.enqueue_dma source(%dma_start3A_261 : memref<2x4992xi32, #tpu.memory_space<vmem>>) target(%dma_start3A_258 : memref<2x4992xi32, #tpu.memory_space<hbm>>) target_semaphore(%arg17 : memref<!tpu.dma_semaphore, #tpu.memory_space<semaphore_mem>>)
    %dma_wait3A_262 = arith.constant 0 : i32
    %dma_wait3A_263 = arith.constant 0 : i32
    %dma_wait3A_264 = tpu.memref_slice %arg12[%dma_wait3A_262, %dma_wait3A_263] : memref<2x10112xi32, #tpu.memory_space<vmem>> -> memref<2x5120xi32, #tpu.memory_space<vmem>>
    %dma_wait3A_265 = arith.constant 0 : i32
    %dma_wait3A_266 = tpu.memref_slice %arg6[%dma_wait3A_265, %add3A_145] : memref<2x320000xi32, #tpu.memory_space<hbm>> -> memref<2x5120xi32, #tpu.memory_space<hbm>>
    %dma_wait3A_267 = arith.constant 0 : i32
    %dma_wait3A_268 = tpu.memref_slice %arg6[%dma_wait3A_267, %add3A_145] : memref<2x320000xi32, #tpu.memory_space<hbm>> -> memref<2x5120xi32, #tpu.memory_space<hbm>>
    %dma_wait3A_269 = arith.constant 0 : i32
    %dma_wait3A_270 = arith.constant 0 : i32
    %dma_wait3A_271 = tpu.memref_slice %arg12[%dma_wait3A_269, %dma_wait3A_270] : memref<2x10112xi32, #tpu.memory_space<vmem>> -> memref<2x5120xi32, #tpu.memory_space<vmem>>
    tpu.wait_dma2 semaphore(%arg17 : memref<!tpu.dma_semaphore, #tpu.memory_space<semaphore_mem>>) src(%dma_wait3A_271 : memref<2x5120xi32, #tpu.memory_space<vmem>>) dst(%dma_wait3A_268 : memref<2x5120xi32, #tpu.memory_space<hbm>>)
    %dma_wait3A_272 = arith.constant 0 : i32
    %dma_wait3A_273 = arith.constant 5120 : i32
    %dma_wait3A_274 = tpu.memref_slice %arg12[%dma_wait3A_272, %dma_wait3A_273] : memref<2x10112xi32, #tpu.memory_space<vmem>> -> memref<2x4992xi32, #tpu.memory_space<vmem>>
    %dma_wait3A_275 = arith.constant 0 : i32
    %dma_wait3A_276 = tpu.memref_slice %arg6[%dma_wait3A_275, %add3A_251] : memref<2x320000xi32, #tpu.memory_space<hbm>> -> memref<2x4992xi32, #tpu.memory_space<hbm>>
    %dma_wait3A_277 = arith.constant 0 : i32
    %dma_wait3A_278 = tpu.memref_slice %arg6[%dma_wait3A_277, %add3A_251] : memref<2x320000xi32, #tpu.memory_space<hbm>> -> memref<2x4992xi32, #tpu.memory_space<hbm>>
    %dma_wait3A_279 = arith.constant 0 : i32
    %dma_wait3A_280 = arith.constant 5120 : i32
    %dma_wait3A_281 = tpu.memref_slice %arg12[%dma_wait3A_279, %dma_wait3A_280] : memref<2x10112xi32, #tpu.memory_space<vmem>> -> memref<2x4992xi32, #tpu.memory_space<vmem>>
    tpu.wait_dma2 semaphore(%arg17 : memref<!tpu.dma_semaphore, #tpu.memory_space<semaphore_mem>>) src(%dma_wait3A_281 : memref<2x4992xi32, #tpu.memory_space<vmem>>) dst(%dma_wait3A_278 : memref<2x4992xi32, #tpu.memory_space<hbm>>)
    %dma_wait3A_282 = arith.constant 0 : i32
    %dma_wait3A_283 = arith.constant 0 : i32
    %dma_wait3A_284 = tpu.memref_slice %arg10[%dma_wait3A_282, %dma_wait3A_283] : memref<320x128xf32, #tpu.memory_space<vmem>> -> memref<80x128xf32, #tpu.memory_space<vmem>>
    %dma_wait3A_285 = arith.constant 0 : i32
    %dma_wait3A_286 = tpu.memref_slice %arg5[%add3A_167, %dma_wait3A_285] : memref<10000x128xf32, #tpu.memory_space<hbm>> -> memref<80x128xf32, #tpu.memory_space<hbm>>
    %dma_wait3A_287 = arith.constant 0 : i32
    %dma_wait3A_288 = tpu.memref_slice %arg5[%add3A_167, %dma_wait3A_287] : memref<10000x128xf32, #tpu.memory_space<hbm>> -> memref<80x128xf32, #tpu.memory_space<hbm>>
    %dma_wait3A_289 = arith.constant 0 : i32
    %dma_wait3A_290 = arith.constant 0 : i32
    %dma_wait3A_291 = tpu.memref_slice %arg10[%dma_wait3A_289, %dma_wait3A_290] : memref<320x128xf32, #tpu.memory_space<vmem>> -> memref<80x128xf32, #tpu.memory_space<vmem>>
    tpu.wait_dma2 semaphore(%arg18 : memref<!tpu.dma_semaphore, #tpu.memory_space<semaphore_mem>>) src(%dma_wait3A_291 : memref<80x128xf32, #tpu.memory_space<vmem>>) dst(%dma_wait3A_288 : memref<80x128xf32, #tpu.memory_space<hbm>>)
    %dma_wait3A_292 = arith.constant 80 : i32
    %dma_wait3A_293 = arith.constant 0 : i32
    %dma_wait3A_294 = tpu.memref_slice %arg10[%dma_wait3A_292, %dma_wait3A_293] : memref<320x128xf32, #tpu.memory_space<vmem>> -> memref<80x128xf32, #tpu.memory_space<vmem>>
    %dma_wait3A_295 = arith.constant 0 : i32
    %dma_wait3A_296 = tpu.memref_slice %arg5[%add3A_189, %dma_wait3A_295] : memref<10000x128xf32, #tpu.memory_space<hbm>> -> memref<80x128xf32, #tpu.memory_space<hbm>>
    %dma_wait3A_297 = arith.constant 0 : i32
    %dma_wait3A_298 = tpu.memref_slice %arg5[%add3A_189, %dma_wait3A_297] : memref<10000x128xf32, #tpu.memory_space<hbm>> -> memref<80x128xf32, #tpu.memory_space<hbm>>
    %dma_wait3A_299 = arith.constant 80 : i32
    %dma_wait3A_300 = arith.constant 0 : i32
    %dma_wait3A_301 = tpu.memref_slice %arg10[%dma_wait3A_299, %dma_wait3A_300] : memref<320x128xf32, #tpu.memory_space<vmem>> -> memref<80x128xf32, #tpu.memory_space<vmem>>
    tpu.wait_dma2 semaphore(%arg18 : memref<!tpu.dma_semaphore, #tpu.memory_space<semaphore_mem>>) src(%dma_wait3A_301 : memref<80x128xf32, #tpu.memory_space<vmem>>) dst(%dma_wait3A_298 : memref<80x128xf32, #tpu.memory_space<hbm>>)
    %dma_wait3A_302 = arith.constant 160 : i32
    %dma_wait3A_303 = arith.constant 0 : i32
    %dma_wait3A_304 = tpu.memref_slice %arg10[%dma_wait3A_302, %dma_wait3A_303] : memref<320x128xf32, #tpu.memory_space<vmem>> -> memref<80x128xf32, #tpu.memory_space<vmem>>
    %dma_wait3A_305 = arith.constant 0 : i32
    %dma_wait3A_306 = tpu.memref_slice %arg5[%add3A_211, %dma_wait3A_305] : memref<10000x128xf32, #tpu.memory_space<hbm>> -> memref<80x128xf32, #tpu.memory_space<hbm>>
    %dma_wait3A_307 = arith.constant 0 : i32
    %dma_wait3A_308 = tpu.memref_slice %arg5[%add3A_211, %dma_wait3A_307] : memref<10000x128xf32, #tpu.memory_space<hbm>> -> memref<80x128xf32, #tpu.memory_space<hbm>>
    %dma_wait3A_309 = arith.constant 160 : i32
    %dma_wait3A_310 = arith.constant 0 : i32
    %dma_wait3A_311 = tpu.memref_slice %arg10[%dma_wait3A_309, %dma_wait3A_310] : memref<320x128xf32, #tpu.memory_space<vmem>> -> memref<80x128xf32, #tpu.memory_space<vmem>>
    tpu.wait_dma2 semaphore(%arg18 : memref<!tpu.dma_semaphore, #tpu.memory_space<semaphore_mem>>) src(%dma_wait3A_311 : memref<80x128xf32, #tpu.memory_space<vmem>>) dst(%dma_wait3A_308 : memref<80x128xf32, #tpu.memory_space<hbm>>)
    %dma_wait3A_312 = arith.constant 240 : i32
    %dma_wait3A_313 = arith.constant 0 : i32
    %dma_wait3A_314 = tpu.memref_slice %arg10[%dma_wait3A_312, %dma_wait3A_313] : memref<320x128xf32, #tpu.memory_space<vmem>> -> memref<80x128xf32, #tpu.memory_space<vmem>>
    %dma_wait3A_315 = arith.constant 0 : i32
    %dma_wait3A_316 = tpu.memref_slice %arg5[%add3A_233, %dma_wait3A_315] : memref<10000x128xf32, #tpu.memory_space<hbm>> -> memref<80x128xf32, #tpu.memory_space<hbm>>
    %dma_wait3A_317 = arith.constant 0 : i32
    %dma_wait3A_318 = tpu.memref_slice %arg5[%add3A_233, %dma_wait3A_317] : memref<10000x128xf32, #tpu.memory_space<hbm>> -> memref<80x128xf32, #tpu.memory_space<hbm>>
    %dma_wait3A_319 = arith.constant 240 : i32
    %dma_wait3A_320 = arith.constant 0 : i32
    %dma_wait3A_321 = tpu.memref_slice %arg10[%dma_wait3A_319, %dma_wait3A_320] : memref<320x128xf32, #tpu.memory_space<vmem>> -> memref<80x128xf32, #tpu.memory_space<vmem>>
    tpu.wait_dma2 semaphore(%arg18 : memref<!tpu.dma_semaphore, #tpu.memory_space<semaphore_mem>>) src(%dma_wait3A_321 : memref<80x128xf32, #tpu.memory_space<vmem>>) dst(%dma_wait3A_318 : memref<80x128xf32, #tpu.memory_space<hbm>>)
    return
  }
}

</mosaic_0001>

<sc_bundles>
// kernel: kernel.3.cloned.1.call-start
scs
__scs_entry_jumppad:
0x0: {  	(pc) =	sbr.rel $0x88, $3  }
0x1: {  	(tag) =	ssettag $0x0;
	lr =	simm.s32 $0x1  }
0x2: {  	[smem:$0x3F9E] =	sst lr;
	_ =	strace $0xD0000000  }
0x3: {  	_ = 	snop  }
0x4: {  	_ = 	snop  }
0x5: {  	_ = 	snop  }
0x6: {  	_ = 	snop  }
0x7: {  	_ = 	snop  }
__scs_overlays_trampoline_lowered:
0x8: {  	[smem:$0x3FAD] =	sst s0  }
0x9: {  	[smem:$0x3FAE] =	sst s1  }
0xa: {  	[smem:$0x3FAF] =	sst s2  }
0xb: {  	[smem:$0x3FB0] =	sst s3  }
0xc: {  	[smem:$0x3FB1] =	sst s4  }
0xd: {  	[smem:$0x3FB2] =	sst s5  }
0xe: {  	[smem:$0x3FB3] =	sst s6  }
0xf: {  	[smem:$0x3FB4] =	sst s7  }
0x10: {  	[smem:$0x3FB5] =	sst s8  }
0x11: {  	[smem:$0x3FB6] =	sst s9;
	s0 =	simm.s32 @!p0 $0x0  }
0x12: {  	s1 =	sld [smem:$0x3F9C];
	s0 =	simm.s32 @p0 $0x1  }
0x13: {  	[smem:$0x3FB7] =	sst s0;
	s0 =	simm.s32 @!p1 $0x0  }
0x14: {  	s2 =	sld [smem:$0x3F9B];
	s0 =	simm.s32 @p1 $0x1  }
0x15: {  	[smem:$0x3FB8] =	sst s0;
	s0 =	simm.s32 @!p2 $0x0  }
0x16: {  	s3 =	sld [smem:$0x3FDB];
	s0 =	simm.s32 @p2 $0x1  }
0x17: {  	s4 =	simm.s32 $0x1BF5;
	[smem:$0x3FBA] =	sst s0  }
0x18: {  	s0 =	sld [smem:$0x3F9D];
	_ =	swait.ge [sflag:s4], $0x0  }
0x19: {  	s7 =	sld [smem:$0x3F9E]  }
0x1a: {  	s8 =	sadd.s32 $0xFFFFE003, lr  }
0x1b: {  	s9 =	sadd.s32 $0xFFFFFEF7, lr;
	s5 =	simm.s32 $0xFFFFFFFF;
	p2 =	slt.u32 s8, $0xFFFFF086  }
0x1c: {  	p1 =	slt.u32 s9, $0xF7A;
	s5 =	simm.s32 @!p2 $0x0  }
0x1d: {  	s5 =	simm.s32 @p1 $0x1;
	p0 =	seq.s32 s7, s2  }
0x1e: {  	s7 =	smul.u32 @!p0 $0xF7A, s2;
	p2 =	seq.s32 @!p0 s5, $0x0  }
0x1f: {  	s9 =	smul.u32 $0xF7A, s1;
	s8 =	simm.s32 @!p0 $0x1BF5;
	p2 =	por !p2, p0  }
0x20: {  	[sflag:s8] =	ssyncset.s32 @!p0 $0xFFFFF086;
	s6 =	sadd.s32 @!p0 s3, s7;
	s7 =	simm.s32 @!p0 $0x108  }
0x21: {  	s3 =	sadd.s32 s3, s9;
	s6 =	sadd.s32 @!p0 $0x88, s6;
	s7 =	simm.s32 @p2 $0x1082  }
0x22: {  	[simem:s7], [sflag:s8] =	dma.local @!p0 [hbm:s6], $0xF7A  }
0x23: {  	s9 =	sor.u32 $0xD0000000, s2;
	s6 =	simm.s32 $0x108;
	_ =	swait.ge @!p0 [sflag:s8], $0x0  }
0x24: {  	s3 =	sadd.s32 $0x88, s3;
	s6 =	simm.s32 @!p1 $0x1082;
	[sflag:s4] =	ssyncset.s32 $0xFFFFF086  }
0x25: {  	[simem:s6], [sflag:s4] =	dma.local [hbm:s3], $0xF7A  }
0x26: {  	[smem:$0x3F9E] =	sst s1;
	(tag) =	ssettag s2;
	_ =	strace s9  }
0x27: {  	s1 =	sld [smem:$0x3FAE]  }
0x28: {  	s2 =	sld [smem:$0x3FAF]  }
0x29: {  	s4 =	sld [smem:$0x3FB1]  }
0x2a: {  	p0 =	seq.s32 s5, $0x0;
	s5 =	sld [smem:$0x3FB2]  }
0x2b: {  	s6 =	sld [smem:$0x3FB3]  }
0x2c: {  	s7 =	sld [smem:$0x3FB4]  }
0x2d: {  	s3 =	simm.s32 $0x108;
	s8 =	sld [smem:$0x3FB5]  }
0x2e: {  	s3 =	simm.s32 @!p0 $0x1082;
	s9 =	sld [smem:$0x3FB6]  }
0x2f: {  	lr =	sadd.s32 s0, s3;
	s0 =	sld [smem:$0x3FAD]  }
0x30: {  	s3 =	sld [smem:$0x3FB0]  }
0x31: {  	[smem:$0x3FB9] =	sst s10  }
0x32: {  	s10 =	sld [smem:$0x3FB7];
	_ =	sdelay $0x3  }
0x33: {  	p0 =	seq.s32 s10, $0x1;
	s10 =	sld [smem:$0x3FB9];
	_ =	sdelay $0x3  }
0x34: {  	[smem:$0x3FB9] =	sst s10  }
0x35: {  	s10 =	sld [smem:$0x3FB8];
	_ =	sdelay $0x3  }
0x36: {  	p1 =	seq.s32 s10, $0x1;
	s10 =	sld [smem:$0x3FB9];
	_ =	sdelay $0x3  }
0x37: {  	[smem:$0x3FB9] =	sst s10  }
0x38: {  	s10 =	sld [smem:$0x3FBA]  }
0x39: {  	_ = 	snop;
	(pc) =	sbr.ind lr, $3  }
0x3a: {  	_ = 	snop  }
0x3b: {  	_ = 	snop  }
0x3c: {  	p2 =	seq.s32 s10, $0x1;
	s10 =	sld [smem:$0x3FB9]  }
0x3d: {  	_ =	shalt  }
0x3e: {  	_ =	shalt  }
0x3f: {  	_ =	shalt  }
0x40: {  	_ =	shalt  }
0x41: {  	_ =	shalt  }
0x42: {  	_ =	shalt  }
0x43: {  	_ =	shalt  }
0x44: {  	_ =	shalt  }
0x45: {  	_ =	shalt  }
0x46: {  	_ =	shalt  }
0x47: {  	_ =	shalt  }
0x48: {  	_ =	shalt  }
0x49: {  	_ =	shalt  }
0x4a: {  	_ =	shalt  }
0x4b: {  	_ =	shalt  }
0x4c: {  	_ =	shalt  }
0x4d: {  	_ =	shalt  }
0x4e: {  	_ =	shalt  }
0x4f: {  	_ =	shalt  }
0x50: {  	_ =	shalt  }
0x51: {  	_ =	shalt  }
0x52: {  	_ =	shalt  }
0x53: {  	_ =	shalt  }
0x54: {  	_ =	shalt  }
0x55: {  	_ =	shalt  }
0x56: {  	_ =	shalt  }
0x57: {  	_ =	shalt  }
0x58: {  	_ =	shalt  }
0x59: {  	_ =	shalt  }
0x5a: {  	_ =	shalt  }
0x5b: {  	_ =	shalt  }
0x5c: {  	_ =	shalt  }
0x5d: {  	_ =	shalt  }
0x5e: {  	_ =	shalt  }
0x5f: {  	_ =	shalt  }
0x60: {  	_ =	shalt  }
0x61: {  	_ =	shalt  }
0x62: {  	_ =	shalt  }
0x63: {  	_ =	shalt  }
0x64: {  	_ =	shalt  }
0x65: {  	_ =	shalt  }
0x66: {  	_ =	shalt  }
0x67: {  	_ =	shalt  }
0x68: {  	_ =	shalt  }
0x69: {  	_ =	shalt  }
0x6a: {  	_ =	shalt  }
0x6b: {  	_ =	shalt  }
0x6c: {  	_ =	shalt  }
0x6d: {  	_ =	shalt  }
0x6e: {  	_ =	shalt  }
0x6f: {  	_ =	shalt  }
0x70: {  	_ =	shalt  }
0x71: {  	_ =	shalt  }
0x72: {  	_ =	shalt  }
0x73: {  	_ =	shalt  }
0x74: {  	_ =	shalt  }
0x75: {  	_ =	shalt  }
0x76: {  	_ =	shalt  }
0x77: {  	_ =	shalt  }
0x78: {  	_ =	shalt  }
0x79: {  	_ =	shalt  }
0x7a: {  	_ =	shalt  }
0x7b: {  	_ =	shalt  }
0x7c: {  	_ =	shalt  }
0x7d: {  	_ =	shalt  }
0x7e: {  	_ =	shalt  }
0x7f: {  	_ =	shalt  }
0x80: {  	_ =	shalt  }
0x81: {  	_ =	shalt  }
0x82: {  	_ =	shalt  }
0x83: {  	_ =	shalt  }
0x84: {  	_ =	shalt  }
0x85: {  	_ =	shalt  }
0x86: {  	_ =	shalt  }
0x87: {  	_ =	shalt  }
.Lfunc_end0:
.L_simem_size_0:
called_computation_lowered:
.L_overlay_start_0:
0x88: {  	s2 =	sld [smem:$0x3FD9]  }
0x89: {  	s3 =	sld [smem:$0x3FFE];
	_ =	sdelay $0x1  }
0x8a: {  	s1 =	srdreg.scid  }
0x8b: {  	s0 =	sand.u32 $0x1, s1  }
0x8c: {  	s15 =	sshll.u32 s0, $0xA;
	s2 =	sadd.s32 s3, s2  }
0x8d: {  	s2 =	sadd.s32 s2, s15  }
0x8e: {  	[smem:$0x3FC5] =	sst s2  }
0x8f: {  	_ = 	snop  }
0x90: {  	s2 =	sld [smem:$0x3FD0]  }
0x91: {  	s16 =	sld [smem:$0x3FC9]  }
0x92: {  	s4 =	sld [smem:$0x3FC8]  }
0x93: {  	s6 =	simm.s32 $0xA;
	s7 =	simm.s32 $0x10;
	s5 =	sld [smem:$0x3FC7]  }
0x94: {  	[smem:s7], [sflag:s6] =	dma.local [hbm:s2], $0x1  }
0x95: {  	_ =	swait.eq [sflag:s6], $0x1  }
0x96: {  	[sflag:s6] =	ssyncset.done $0x0  }
0x97: {  	s17 =	sld [smem:$0x10];
	[sflag:s6] =	ssyncadd.s32 $0xFFFFFFFF  }
0x98: {  	s18 =	sld [smem:$0x11];
	(tm) =	ssettm $0x1  }
0x99: {  	s19 =	sld [smem:$0x3FFB];
	_ =	sdelay $0x3  }
0x9a: {  	_ =	strace s19  }
0x9b: {  	s7 =	sld [smem:$0x3FFC];
	_ =	sdelay $0x3  }
0x9c: {  	_ =	strace s7  }
0x9d: {  	s7 =	sld [smem:$0x3FFD];
	_ =	sdelay $0x3  }
0x9e: {  	_ =	strace s7  }
0x9f: {  	_ =	strace $0x8FFFFFFF  }
0xa0: {  	s20 =	sld [smem:$0x3FDB];
	_ =	sdelay $0x1  }
0xa1: {  	s8 =	simm.s32 $_scs_section_size  }
0xa2: {  	s9 =	simm.s32 $_size__tile_overlayer_lowered;
	s10 =	simm.s32 $_tile_overlayer_lowered  }
0xa3: {  	s23 =	simm.s32 $0x1BFF;
	s22 =	sshll.u32 s10, $0x1;
	s7 =	sadd.s32 s8, s20  }
0xa4: {  	s11 =	simm.s32 $0x0;
	s21 =	sshll.u32 s9, $0x1;
	s9 =	sadd.s32 s22, s7  }
0xa5: {  	[timem:s11], [sflag:s23] =	dma.local [hbm:s9], s21  }
0xa6: {  	_ =	swait.ge [sflag:s23], s21  }
0xa7: {  	s8 =	ssub.s32 $0x0, s21;
	[sflag:s23] =	ssyncset.done $0x0  }
0xa8: {  	[sflag:s23] =	ssyncadd.s32 s8;
	_ =	sdelay $0x1  }
0xa9: {  	s24 =	simm.s32 $0x1B8B  }
0xaa: {  	_ =	swait.ge [sflag:s24], $0x1  }
0xab: {  	[sflag:s24] =	ssyncset.done $0x0  }
0xac: {  	s25 =	simm.s32 $0x1B8E;
	[sflag:s24] =	ssyncadd.s32 $0xFFFFFFFF  }
0xad: {  	s26 =	simm.s32 $execute0_lowered;
	[smem:$0x3FD2] =	sst s25  }
0xae: {  	s8 =	sshll.u32 s26, $0x1;
	_ =	strace $0x80000046;
	[dreg:$0x1] =	wrdreg $0xFFFFFFFF  }
0xaf: {  	s28 =	simm.s32 $_size_execute0_lowered;
	s7 =	sadd.s32 s7, s8;
	[dreg:$0x0] =	wrdreg $0x0  }
0xb0: {  	s8 =	sshll.u32 s28, $0x1;
	[dreg:$0x2] =	wrdreg s7  }
0xb1: {  	[dreg:$0x3] =	wrdreg s8  }
0xb2: {  	[dreg:$0x4] =	wrdreg $0xC0  }
0xb3: {  	_ =	task [dreg:s11], $0x5FFFF  }
0xb4: {  	[dreg:$0x1] =	wrdreg $0xFFFFFFFF  }
0xb5: {  	[dreg:$0x0] =	wrdreg $0x60  }
0xb6: {  	[dreg:$0x2] =	wrdreg s16  }
0xb7: {  	[dreg:$0x3] =	wrdreg s4  }
0xb8: {  	[dreg:$0x4] =	wrdreg s5  }
0xb9: {  	[dreg:$0x5] =	wrdreg s17  }
0xba: {  	[dreg:$0x6] =	wrdreg s18  }
0xbb: {  	[dreg:$0x7] =	wrdreg $0x9  }
0xbc: {  	_ =	task.clear_ibuf [dreg:s11], $0x8FFFF;
	_ =	strace $0x90000046  }
0xbd: {  	s29 =	simm.s32 $0x9;
	_ =	strace $0x80000048  }
0xbe: {  	_ =	swait.ge [sflag:s29], $0x1  }
0xbf: {  	[sflag:s29] =	ssyncadd.s32 $0xFFFFFFFF  }
0xc0: {  	_ =	strace $0x90000048  }
0xc1: {  	_ =	sfence  }
0xc2: {  	s30 =	sld [smem:$0x0];
	_ =	sdelay $0x2  }
0xc3: {  	s31 =	sshll.u32 s1, $0xD;
	s1 =	sshrl.u32 s1, $0x2  }
0xc4: {  	s3 =	sand.u32 $0x4000, s31;
	s1 =	sadd.s32 s1, s30  }
0xc5: {  	s0 =	sor.u32 s3, s0;
	s1 =	sshll.u32 s1, $0x11  }
0xc6: {  	s0 =	sor.u32 s1, s0  }
0xc7: {  	s0 =	sadd.s32 $0x8F2B, s0  }
0xc8: {  	[sflag:s0] =	ssyncadd.remote.s32 $0x1  }
0xc9: {  	_ =	sfence.sel $0xFFFF  }
0xca: {  	[dreg:$0x0] =	wrdreg $0xFFFFFFFF;
	(pc) =	sbr.abs _section_cstart, $3  }
0xcb: {  	[dreg:$0x1] =	wrdreg $0xFFFFFFFF  }
0xcc: {  	_ =	task.clear_ibuf [dreg:s11], $0x2FFFF;
	_ =	strace $0x9FFFFFFF  }
0xcd: {  	(tm) =	ssettm $0x7FFFFFFF  }
tec
execute0_lowered:
.L_overlay_start_1:
0x0: {  	(tag) =	ssettag $0x1  }
0x1: {  	s1 =	rddreg [dreg:$0x0]  }
0x2: {  	s0 =	rddreg [dreg:$0x1]  }
0x3: {  	s2 =	srdreg.scid;
	s11 =	rddreg [dreg:$0x2]  }
0x4: {  	s3 =	stileid.u32;
	s5 =	rddreg [dreg:$0x3]  }
0x5: {  	s6 =	rddreg [dreg:$0x4];
	s2 =	sand.u32 $0x1, s2;
	s3 =	sshll.u32 s3, $0x1  }
0x6: {  	s4 =	simm.s32 $0x0;
	s28 =	simm.s32 $0xC900;
	s3 =	sor.u32 s2, s3  }
0x7: {  	s29 =	simm.s32 $0x1;
	s30 =	simm.s32 $0x2780;
	s7 =	smul.u32 $0x140, s3  }
0x8: {  	[smem:$0x7FF] =	sst s4;
	s2 =	ssub.s32 $0x2, s2;
	s3 =	smul.u32 $0x4F, s3  }
0x9: {  	s31 =	simm.s32 $0x3;
	_ =	strace $0x80000047;
	s8 =	sshrl.u32 s2, $0x1  }
0xa: {  	s2 =	ssub.s32 s2, s8;
	s7 =	smin.u32 s7, $0x25D0;
	s3 =	smin.u32 s3, $0x975  }
0xb: {  	s16 =	smax.u32 s2, $0x1;
	s2 =	simm.s32 $0x0;
	s18 =	sadd.s32 $0x50, s7  }
0xc: {  	s9 =	sshrl.u32 s7, $0x3;
	s20 =	sadd.s32 $0xA0, s7;
	s13 =	sadd.s32 $0xF0, s7  }
0xd: {  	s3 =	sshll.u32 s3, $0x5;
	s23 =	sshll.u32 s7, $0x4;
	s10 =	sshrl.u32 s18, $0x3  }
0xe: {  	s9 =	sadd.s32 s11, s9;
	s21 =	sshrl.u32 s20, $0x3;
	s22 =	sshrl.u32 s13, $0x3  }
0xf: {  	s0 =	sadd.s32 s0, s3;
	s24 =	sshll.u32 s18, $0x4;
	s25 =	sshll.u32 s20, $0x4  }
0x10: {  	s26 =	sshll.u32 s13, $0x4;
	s18 =	simm.s32 $0x4F80;
	s20 =	simm.s32 $0x5080  }
0x11: {  	[dreg:$0x6] =	wrdreg s9;
	s19 =	sadd.s32 s11, s10;
	s10 =	sadd.s32 s11, s21  }
0x12: {  	[dreg:$0xa] =	wrdreg s0;
	s0 =	sadd.s32 s5, s23;
	s12 =	sadd.s32 s5, s24  }
0x13: {  	s13 =	sadd.s32 s5, s25;
	s14 =	sadd.s32 s5, s26;
	s23 =	simm.s32 $0x50  }
0x14: {  	s24 =	simm.s32 $0x5100;
	s25 =	simm.s32 $0x7900;
	[dreg:$0x7] =	wrdreg s19  }
0x15: {  	s26 =	simm.s32 $0xA100;
	s21 =	simm.s32 $0x6;
	[dreg:$0x8] =	wrdreg s10  }
0x16: {  	s10 =	sadd.s32 s11, s22;
	[dreg:$0xb] =	wrdreg s0;
	s19 =	simm.s32 $0x5000  }
0x17: {  	v0 =	vlaneseq.u32;
	s22 =	simm.s32 $0x2;
	[dreg:$0x9] =	wrdreg s10;
	s10 =	sadd.s32 s6, s3  }
0x18: {  	v1 =	vor.u32 $0x2700, v0;
	s0 =	simm.s32 $0x4;
	s3 =	simm.s32 $0x5;
	s15 =	sadd.s32 $0x500, s10  }
.LBB2_1:
0x19: {  	s5 =	rddreg [dreg:$0x6];
	s6 =	simm.s32 $0x4F00  }
0x1a: {  	[tilespmem:s6], [sflag:$0x2] =	stream.linear.gather [hbm4b:s5+s4], $0x50, $0x38;
	[tilespmem:$0x18F00] =	vst v63  }
0x1b: {  	s8 =	rddreg [dreg:$0x7]  }
0x1c: {  	[tilespmem:s18], [sflag:$0x2] =	stream.linear.gather [hbm4b:s8+s4], $0x50, $0x38;
	[tilespmem:$0x18F00] =	vst v63  }
0x1d: {  	s9 =	rddreg [dreg:$0x8]  }
0x1e: {  	[tilespmem:s19], [sflag:$0x2] =	stream.linear.gather [hbm4b:s9+s4], $0x50, $0x38;
	[tilespmem:$0x18F00] =	vst v63  }
0x1f: {  	s11 =	rddreg [dreg:$0x9]  }
0x20: {  	[tilespmem:s20], [sflag:$0x2] =	stream.linear.gather [hbm4b:s11+s4], $0x50, $0x38;
	[tilespmem:$0x18F00] =	vst v63  }
0x21: {  	s17 =	rddreg [dreg:$0xa];
	s7 =	simm.s32 $0xF100  }
0x22: {  	[tilespmem:s7], [sflag:$0x3] =	stream.linear.gather [hbm4b:s17+s4], $0x4F00, $0x38;
	[tilespmem:$0x18F00] =	vst v63  }
0x23: {  	s8 =	rddreg [dreg:$0x2]  }
0x24: {  	[tilespmem:s4], [sflag:$0x1] =	stream.linear.gather [hbm4b:s8+s4], $0x2780, $0x38;
	[tilespmem:$0x18F00] =	vst v63  }
0x25: {  	_ =	swait.ge [sflag:s22], $0x50  }
0x26: {  	[sflag:s22] =	ssyncset.done $0x0  }
0x27: {  	[sflag:s22] =	ssyncadd.s32 $0xFFFFFFB0  }
0x28: {  	[tilespmem:s24], [sflag:$0x4] =	stream.indirect.gather [hbm4b:s1+s23], $0x80, s6, s23, $0xb8;
	[tilespmem:$0x18F00] =	vst v63  }
0x29: {  	_ =	swait.ge [sflag:s22], $0x50  }
0x2a: {  	[sflag:s22] =	ssyncset.done $0x0  }
0x2b: {  	[sflag:s22] =	ssyncadd.s32 $0xFFFFFFB0  }
0x2c: {  	[tilespmem:s25], [sflag:$0x4] =	stream.indirect.gather [hbm4b:s1+s23], $0x80, s18, s23, $0xb8;
	[tilespmem:$0x18F00] =	vst v63  }
0x2d: {  	_ =	swait.ge [sflag:s22], $0x50  }
0x2e: {  	[sflag:s22] =	ssyncset.done $0x0  }
0x2f: {  	[sflag:s22] =	ssyncadd.s32 $0xFFFFFFB0  }
0x30: {  	[tilespmem:s26], [sflag:$0x4] =	stream.indirect.gather [hbm4b:s1+s23], $0x80, s19, s23, $0xb8;
	[tilespmem:$0x18F00] =	vst v63  }
0x31: {  	_ =	swait.ge [sflag:s22], $0x50  }
0x32: {  	[sflag:s22] =	ssyncset.done $0x0  }
0x33: {  	[sflag:s22] =	ssyncadd.s32 $0xFFFFFFB0  }
0x34: {  	[tilespmem:s28], [sflag:$0x4] =	stream.indirect.gather [hbm4b:s1+s23], $0x80, s20, s23, $0xb8;
	[tilespmem:$0x18F00] =	vst v63  }
0x35: {  	_ =	swait.ge [sflag:s29], $0x2780  }
0x36: {  	[sflag:s29] =	ssyncset.done $0x0  }
0x37: {  	s9 =	simm.s32 $0x40;
	[sflag:s29] =	ssyncadd.s32 $0xFFFFD880  }
0x38: {  	v4 =	vld [tilespmem:s9+$0x30]  }
0x39: {  	v5 =	vld [tilespmem:s9+$0x20]  }
0x3a: {  	v6 =	vld [tilespmem:s9+$0x10]  }
0x3b: {  	v7 =	vld [tilespmem:s9+$0x0]  }
0x3c: {  	v8 =	vld [tilespmem:s9+$0xFFFFFFF0]  }
0x3d: {  	v9 =	vld [tilespmem:s9+$0xFFFFFFE0]  }
0x3e: {  	s11 =	simm.s32 $0x70;
	v12 =	vld [tilespmem:s9+$0xFFFFFFD0]  }
0x3f: {  	s5 =	simm.s32 $0xC0;
	v10 =	vor.u32 s11, v0;
	s17 =	simm.s32 $0x60;
	v3 =	vld [tilespmem:s9+$0xFFFFFFC0]  }
0x40: {  	v11 =	vor.u32 s17, v0;
	s8 =	simm.s32 $0x50;
	v2 =	vld [tilespmem:s5+$0x30];
	[tilespmem:v4+s30+$0x0] =	vst.idx.msk $0xffff, v10  }
0x41: {  	s9 =	simm.s32 $0x40;
	v4 =	vld [tilespmem:s5+$0x20];
	v10 =	vor.u32 s8, v0;
	[tilespmem:v5+s30+$0x0] =	vst.idx.msk $0xffff, v11  }
0x42: {  	s11 =	simm.s32 $0x30;
	v5 =	vld [tilespmem:s5+$0x10];
	v11 =	vor.u32 s9, v0;
	[tilespmem:v6+s30+$0x0] =	vst.idx.msk $0xffff, v10  }
0x43: {  	s17 =	simm.s32 $0x20;
	v6 =	vld [tilespmem:s5+$0x0];
	v10 =	vor.u32 s11, v0;
	[tilespmem:v7+s30+$0x0] =	vst.idx.msk $0xffff, v11  }
0x44: {  	s8 =	simm.s32 $0x10;
	v7 =	vld [tilespmem:s5+$0xFFFFFFF0];
	v11 =	vor.u32 s17, v0;
	[tilespmem:v8+s30+$0x0] =	vst.idx.msk $0xffff, v10  }
0x45: {  	s6 =	simm.s32 $0xF0;
	s9 =	simm.s32 $0x0;
	v13 =	vor.u32 s8, v0;
	v8 =	vld [tilespmem:s5+$0xFFFFFFE0];
	[tilespmem:v9+s30+$0x0] =	vst.idx.msk $0xffff, v11  }
0x46: {  	s7 =	simm.s32 $0xE0;
	s8 =	simm.s32 $0x8;
	v10 =	vor.u32 s6, v0;
	v9 =	vld [tilespmem:s5+$0xFFFFFFD0];
	v11 =	vor.u32 s9, v0;
	s9 =	simm.s32 $0x170;
	[tilespmem:v12+s30+$0x0] =	vst.idx.msk $0xffff, v13  }
.LBB2_2:
0x47: {  	s11 =	sadd.s32 $0xFFFFFFF0, s9;
	v12 =	vor.u32 s9, v0;
	s8 =	sadd.s32 $0x8, s8;
	[tilespmem:v3+s30+$0x0] =	vst.idx.msk $0xffff, v11;
	v3 =	vld [tilespmem:s5+$0xFFFFFFC0];
	s5 =	sadd.s32 $0x80, s5  }
0x48: {  	s17 =	sadd.s32 $0xFFFFFFE0, s6;
	v11 =	vor.u32 s7, v0;
	p0 =	slt.u32 s8, $0x268;
	[tilespmem:v2+s30+$0x0] =	vst.idx.msk $0xffff, v10;
	v2 =	vld [tilespmem:s5+$0x30];
	v10 =	vmov v12;
	s7 =	smov.u32 s11  }
0x49: {  	s11 =	sadd.s32 $0xFFFFFFD0, s6;
	v12 =	vor.u32 s17, v0;
	[tilespmem:v4+s30+$0x0] =	vst.idx.msk $0xffff, v11;
	v4 =	vld [tilespmem:s5+$0x20]  }
.Ltmp0:
0x4a: {  	s17 =	sadd.s32 $0xFFFFFFC0, s6;
	v11 =	vor.u32 s11, v0;
	[tilespmem:v5+s30+$0x0] =	vst.idx.msk $0xffff, v12;
	v5 =	vld [tilespmem:s5+$0x10];
	(pc) =	sbr.rel @p0 .LBB2_2-.Ltmp0, $4  }
0x4b: {  	s11 =	sadd.s32 $0xFFFFFFB0, s6;
	v12 =	vor.u32 s17, v0;
	[tilespmem:v6+s30+$0x0] =	vst.idx.msk $0xffff, v11;
	v6 =	vld [tilespmem:s5+$0x0]  }
0x4c: {  	s17 =	sadd.s32 $0xFFFFFFA0, s6;
	v11 =	vor.u32 s11, v0;
	[tilespmem:v7+s30+$0x0] =	vst.idx.msk $0xffff, v12;
	v7 =	vld [tilespmem:s5+$0xFFFFFFF0]  }
0x4d: {  	s11 =	sadd.s32 $0xFFFFFF90, s6;
	s6 =	smov.u32 s9;
	v12 =	vor.u32 s17, v0;
	[tilespmem:v8+s30+$0x0] =	vst.idx.msk $0xffff, v11;
	v8 =	vld [tilespmem:s5+$0xFFFFFFE0]  }
0x4e: {  	s9 =	sadd.s32 $0x80, s9;
	v11 =	vor.u32 s11, v0;
	[tilespmem:v9+s30+$0x0] =	vst.idx.msk $0xffff, v12;
	v9 =	vld [tilespmem:s5+$0xFFFFFFD0]  }
0x4f: {  	_ =	sdelay $0x3  }
0x50: {  	v12 =	vld [tilespmem:s5+$0xFFFFFFC0];
	[tilespmem:v3+s30+$0x0] =	vst.idx.msk $0xffff, v11  }
0x51: {  	s9 =	sadd.s32 $0xFFFFFFE0, s6;
	v3 =	vor.u32 s7, v0;
	[tilespmem:v2+s30+$0x0] =	vst.idx.msk $0xffff, v10  }
0x52: {  	s11 =	sadd.s32 $0xFFFFFFD0, s6;
	v2 =	vor.u32 s9, v0;
	[tilespmem:v4+s30+$0x0] =	vst.idx.msk $0xffff, v3  }
0x53: {  	s17 =	sadd.s32 $0xFFFFFFC0, s6;
	v3 =	vor.u32 s11, v0;
	[tilespmem:v5+s30+$0x0] =	vst.idx.msk $0xffff, v2  }
0x54: {  	s8 =	sadd.s32 $0xFFFFFFB0, s6;
	v2 =	vor.u32 s17, v0;
	[tilespmem:v6+s30+$0x0] =	vst.idx.msk $0xffff, v3  }
0x55: {  	s9 =	sadd.s32 $0xFFFFFFA0, s6;
	v3 =	vor.u32 s8, v0;
	[tilespmem:v7+s30+$0x0] =	vst.idx.msk $0xffff, v2  }
0x56: {  	s11 =	sadd.s32 $0xFFFFFF90, s6;
	v2 =	vor.u32 s9, v0;
	[tilespmem:v8+s30+$0x0] =	vst.idx.msk $0xffff, v3  }
0x57: {  	v3 =	vor.u32 s11, v0;
	[tilespmem:v9+s30+$0x0] =	vst.idx.msk $0xffff, v2  }
0x58: {  	[tilespmem:v12+s30+$0x0] =	vst.idx.msk $0xffff, v3  }
0x59: {  	v2 =	vld [tilespmem:$0x2700];
	_ =	sdelay $0x7  }
0x5a: {  	[tilespmem:v2+s30+$0x0] =	vst.idx.msk $0xffff, v1  }
0x5b: {  	_ =	swait.ge [sflag:s31], $0x4F00  }
0x5c: {  	[sflag:s31] =	ssyncset.done $0x0  }
0x5d: {  	s17 =	simm.s32 $0xF140;
	[sflag:s31] =	ssyncadd.s32 $0xFFFFB100  }
0x5e: {  	v2 =	vld [tilespmem:s17+$0x30]  }
0x5f: {  	v3 =	vld [tilespmem:s17+$0xFFFFFFD0]  }
0x60: {  	v4 =	vld [tilespmem:s17+$0xFFFFFFE0]  }
0x61: {  	v5 =	vld [tilespmem:s17+$0xFFFFFFF0]  }
0x62: {  	v7 =	vld [tilespmem:s17+$0x0]  }
0x63: {  	v8 =	vld [tilespmem:s17+$0x10]  }
0x64: {  	v60 =	vld [tilespmem:s17+$0x20]  }
0x65: {  	v61 =	vld [tilespmem:s17+$0xFFFFFFC0]  }
0x66: {  	v62 =	vld.idx.msk [tilespmem:v2+s30+$0x0], $0xffff  }
0x67: {  	v63 =	vld.idx.msk [tilespmem:v3+s30+$0x0], $0xffff  }
0x68: {  	v6 =	vld.idx.msk [tilespmem:v4+s30+$0x0], $0xffff  }
0x69: {  	v4 =	vld.idx.msk [tilespmem:v5+s30+$0x0], $0xffff  }
0x6a: {  	v2 =	vld.idx.msk [tilespmem:v7+s30+$0x0], $0xffff  }
0x6b: {  	s7 =	simm.s32 $0x14040;
	v3 =	vld.idx.msk [tilespmem:v8+s30+$0x0], $0xffff  }
0x6c: {  	s5 =	simm.s32 $0x140F0;
	v5 =	vld.idx.msk [tilespmem:v60+s30+$0x0], $0xffff;
	[tilespmem:s7+$0x30] =	vst v62  }
0x6d: {  	s6 =	simm.s32 $0xF1F0;
	s8 =	simm.s32 $0x0;
	s9 =	simm.s32 $0xF240;
	v7 =	vld.idx.msk [tilespmem:v61+s30+$0x0], $0xffff;
	[tilespmem:s7+$0xFFFFFFD0] =	vst v63  }
.LBB2_4:
0x6e: {  	v8 =	vld [tilespmem:s9+$0x30];
	s8 =	sadd.s32 $0x8, s8;
	[tilespmem:s7+$0xFFFFFFE0] =	vst v6  }
0x6f: {  	v6 =	vld [tilespmem:s9+$0xFFFFFFD0];
	p0 =	slt.u32 s8, $0x138;
	[tilespmem:s7+$0xFFFFFFF0] =	vst v4  }
0x70: {  	v4 =	vld [tilespmem:s9+$0xFFFFFFE0];
	[tilespmem:s7+$0x0] =	vst v2  }
0x71: {  	v2 =	vld [tilespmem:s9+$0xFFFFFFF0];
	[tilespmem:s7+$0x10] =	vst v3  }
0x72: {  	v3 =	vld [tilespmem:s9+$0x0];
	[tilespmem:s7+$0x20] =	vst v5  }
0x73: {  	v5 =	vld [tilespmem:s9+$0x10];
	[tilespmem:s7+$0xFFFFFFC0] =	vst v7  }
0x74: {  	v7 =	vld [tilespmem:s9+$0x20]  }
0x75: {  	v9 =	vld [tilespmem:s9+$0xFFFFFFC0]  }
0x76: {  	v8 =	vld.idx.msk [tilespmem:v8+s30+$0x0], $0xffff  }
0x77: {  	v10 =	vld.idx.msk [tilespmem:v6+s30+$0x0], $0xffff  }
0x78: {  	v6 =	vld.idx.msk [tilespmem:v4+s30+$0x0], $0xffff  }
.Ltmp1:
0x79: {  	v4 =	vld.idx.msk [tilespmem:v2+s30+$0x0], $0xffff;
	(pc) =	sbr.rel @p0 .LBB2_4-.Ltmp1, $4  }
0x7a: {  	v2 =	vld.idx.msk [tilespmem:v3+s30+$0x0], $0xffff  }
0x7b: {  	s7 =	sadd.s32 $0x100, s7;
	v3 =	vld.idx.msk [tilespmem:v5+s30+$0x0], $0xffff  }
0x7c: {  	v5 =	vld.idx.msk [tilespmem:v7+s30+$0x0], $0xffff;
	[tilespmem:s7+$0x30] =	vst v8  }
0x7d: {  	s9 =	sadd.s32 $0x100, s9;
	v7 =	vld.idx.msk [tilespmem:v9+s30+$0x0], $0xffff;
	[tilespmem:s7+$0xFFFFFFD0] =	vst v10  }
0x7e: {  	[tilespmem:s7+$0xFFFFFFE0] =	vst v6  }
0x7f: {  	[tilespmem:s7+$0xFFFFFFF0] =	vst v4  }
0x80: {  	[tilespmem:s7+$0x0] =	vst v2  }
0x81: {  	[tilespmem:s7+$0x10] =	vst v3  }
0x82: {  	[tilespmem:s7+$0x20] =	vst v5  }
0x83: {  	[tilespmem:s7+$0xFFFFFFC0] =	vst v7  }
0x84: {  	v2 =	vld [tilespmem:s6+$0x0]  }
0x85: {  	v3 =	vld [tilespmem:s6+$0xFFFFFFA0]  }
0x86: {  	v4 =	vld [tilespmem:s6+$0xFFFFFFB0]  }
0x87: {  	v5 =	vld [tilespmem:s6+$0xFFFFFFC0]  }
0x88: {  	v6 =	vld [tilespmem:s6+$0xFFFFFFD0]  }
0x89: {  	v8 =	vld [tilespmem:s6+$0xFFFFFFE0]  }
0x8a: {  	v9 =	vld [tilespmem:s6+$0xFFFFFFF0]  }
0x8b: {  	v10 =	vld [tilespmem:s6+$0xFFFFFF90]  }
0x8c: {  	v11 =	vld.idx.msk [tilespmem:v2+s30+$0x0], $0xffff  }
0x8d: {  	v12 =	vld.idx.msk [tilespmem:v3+s30+$0x0], $0xffff  }
0x8e: {  	v7 =	vld.idx.msk [tilespmem:v4+s30+$0x0], $0xffff  }
0x8f: {  	v5 =	vld.idx.msk [tilespmem:v5+s30+$0x0], $0xffff  }
0x90: {  	v4 =	vld.idx.msk [tilespmem:v6+s30+$0x0], $0xffff  }
0x91: {  	v2 =	vld.idx.msk [tilespmem:v8+s30+$0x0], $0xffff  }
0x92: {  	v3 =	vld.idx.msk [tilespmem:v9+s30+$0x0], $0xffff;
	[tilespmem:s5+$0x0] =	vst v11  }
0x93: {  	s7 =	simm.s32 $0xF2F0;
	s6 =	simm.s32 $0x0;
	v6 =	vld.idx.msk [tilespmem:v10+s30+$0x0], $0xffff;
	[tilespmem:s5+$0xFFFFFFA0] =	vst v12  }
.LBB2_6:
0x94: {  	v8 =	vld [tilespmem:s7+$0x0];
	s6 =	sadd.s32 $0x8, s6;
	[tilespmem:s5+$0xFFFFFFB0] =	vst v7  }
0x95: {  	v7 =	vld [tilespmem:s7+$0xFFFFFFA0];
	p0 =	slt.u32 s6, $0x138;
	[tilespmem:s5+$0xFFFFFFC0] =	vst v5  }
0x96: {  	v5 =	vld [tilespmem:s7+$0xFFFFFFB0];
	[tilespmem:s5+$0xFFFFFFD0] =	vst v4  }
0x97: {  	v4 =	vld [tilespmem:s7+$0xFFFFFFC0];
	[tilespmem:s5+$0xFFFFFFE0] =	vst v2  }
0x98: {  	v2 =	vld [tilespmem:s7+$0xFFFFFFD0];
	[tilespmem:s5+$0xFFFFFFF0] =	vst v3  }
0x99: {  	v3 =	vld [tilespmem:s7+$0xFFFFFFE0];
	[tilespmem:s5+$0xFFFFFF90] =	vst v6  }
0x9a: {  	v6 =	vld [tilespmem:s7+$0xFFFFFFF0]  }
0x9b: {  	v9 =	vld [tilespmem:s7+$0xFFFFFF90]  }
0x9c: {  	v8 =	vld.idx.msk [tilespmem:v8+s30+$0x0], $0xffff  }
0x9d: {  	v10 =	vld.idx.msk [tilespmem:v7+s30+$0x0], $0xffff  }
0x9e: {  	v7 =	vld.idx.msk [tilespmem:v5+s30+$0x0], $0xffff  }
.Ltmp2:
0x9f: {  	v5 =	vld.idx.msk [tilespmem:v4+s30+$0x0], $0xffff;
	(pc) =	sbr.rel @p0 .LBB2_6-.Ltmp2, $4  }
0xa0: {  	v4 =	vld.idx.msk [tilespmem:v2+s30+$0x0], $0xffff  }
0xa1: {  	s5 =	sadd.s32 $0x100, s5;
	v2 =	vld.idx.msk [tilespmem:v3+s30+$0x0], $0xffff  }
0xa2: {  	v3 =	vld.idx.msk [tilespmem:v6+s30+$0x0], $0xffff;
	[tilespmem:s5+$0x0] =	vst v8  }
0xa3: {  	s7 =	sadd.s32 $0x100, s7;
	v6 =	vld.idx.msk [tilespmem:v9+s30+$0x0], $0xffff;
	[tilespmem:s5+$0xFFFFFFA0] =	vst v10  }
0xa4: {  	[tilespmem:s5+$0xFFFFFFB0] =	vst v7  }
0xa5: {  	[tilespmem:s5+$0xFFFFFFC0] =	vst v5  }
0xa6: {  	[tilespmem:s5+$0xFFFFFFD0] =	vst v4  }
0xa7: {  	[tilespmem:s5+$0xFFFFFFE0] =	vst v2  }
0xa8: {  	[tilespmem:s5+$0xFFFFFFF0] =	vst v3  }
0xa9: {  	s9 =	simm.s32 $0x14000;
	[tilespmem:s5+$0xFFFFFF90] =	vst v6  }
0xaa: {  	[hbm4b:s10+s4] =	stream.linear.scatter [tilespmem:s9], [sflag:$0x5], $0x2800, $0x38;
	[tilespmem:$0x18F00] =	vst v63  }
0xab: {  	_ =	swait.ge [sflag:s0], $0x2800  }
0xac: {  	[sflag:s0] =	ssyncset.done $0x0  }
0xad: {  	s11 =	rddreg [dreg:$0xb];
	[sflag:s0] =	ssyncadd.s32 $0xFFFFD800  }
0xae: {  	[hbm4b:s11+s4] =	stream.linear.scatter [tilespmem:s24], [sflag:$0x6], $0x2800, $0x38;
	[tilespmem:$0x18F00] =	vst v63  }
0xaf: {  	_ =	swait.ge [sflag:s0], $0x2800  }
0xb0: {  	[sflag:s0] =	ssyncset.done $0x0  }
0xb1: {  	[sflag:s0] =	ssyncadd.s32 $0xFFFFD800  }
0xb2: {  	[hbm4b:s12+s4] =	stream.linear.scatter [tilespmem:s25], [sflag:$0x6], $0x2800, $0x38;
	[tilespmem:$0x18F00] =	vst v63  }
0xb3: {  	_ =	swait.ge [sflag:s0], $0x2800  }
0xb4: {  	[sflag:s0] =	ssyncset.done $0x0  }
0xb5: {  	[sflag:s0] =	ssyncadd.s32 $0xFFFFD800  }
0xb6: {  	[hbm4b:s13+s4] =	stream.linear.scatter [tilespmem:s26], [sflag:$0x6], $0x2800, $0x38;
	[tilespmem:$0x18F00] =	vst v63  }
0xb7: {  	_ =	swait.ge [sflag:s0], $0x2800  }
0xb8: {  	[sflag:s0] =	ssyncset.done $0x0  }
0xb9: {  	s17 =	simm.s32 $0x11970;
	[sflag:s0] =	ssyncadd.s32 $0xFFFFD800  }
0xba: {  	[hbm4b:s14+s4] =	stream.linear.scatter [tilespmem:s28], [sflag:$0x6], $0x2800, $0x38;
	[tilespmem:$0x18F00] =	vst v63  }
0xbb: {  	v2 =	vld [tilespmem:s17+$0x0]  }
0xbc: {  	v3 =	vld [tilespmem:s17+$0xFFFFFFA0]  }
0xbd: {  	v4 =	vld [tilespmem:s17+$0xFFFFFFB0]  }
0xbe: {  	v5 =	vld [tilespmem:s17+$0xFFFFFFC0]  }
0xbf: {  	v7 =	vld [tilespmem:s17+$0xFFFFFFD0]  }
0xc0: {  	v8 =	vld [tilespmem:s17+$0xFFFFFFE0]  }
0xc1: {  	v9 =	vld [tilespmem:s17+$0xFFFFFFF0]  }
0xc2: {  	v10 =	vld [tilespmem:s17+$0xFFFFFF90]  }
0xc3: {  	v11 =	vld.idx.msk [tilespmem:v2+s30+$0x0], $0xffff  }
0xc4: {  	v12 =	vld.idx.msk [tilespmem:v3+s30+$0x0], $0xffff  }
0xc5: {  	v6 =	vld.idx.msk [tilespmem:v4+s30+$0x0], $0xffff  }
0xc6: {  	v4 =	vld.idx.msk [tilespmem:v5+s30+$0x0], $0xffff  }
0xc7: {  	v2 =	vld.idx.msk [tilespmem:v7+s30+$0x0], $0xffff  }
0xc8: {  	s7 =	simm.s32 $0x16870;
	v3 =	vld.idx.msk [tilespmem:v8+s30+$0x0], $0xffff  }
0xc9: {  	s8 =	simm.s32 $0x140;
	v5 =	vld.idx.msk [tilespmem:v9+s30+$0x0], $0xffff;
	[tilespmem:s7+$0x0] =	vst v11  }
0xca: {  	s6 =	simm.s32 $0x119F0;
	s5 =	simm.s32 $0x168F0;
	s9 =	simm.s32 $0x11A70;
	v7 =	vld.idx.msk [tilespmem:v10+s30+$0x0], $0xffff;
	[tilespmem:s7+$0xFFFFFFA0] =	vst v12  }
.LBB2_8:
0xcb: {  	v8 =	vld [tilespmem:s9+$0x0];
	s8 =	sadd.s32 $0x8, s8;
	[tilespmem:s7+$0xFFFFFFB0] =	vst v6  }
0xcc: {  	v6 =	vld [tilespmem:s9+$0xFFFFFFA0];
	p0 =	slt.u32 s8, $0x270;
	[tilespmem:s7+$0xFFFFFFC0] =	vst v4  }
0xcd: {  	v4 =	vld [tilespmem:s9+$0xFFFFFFB0];
	[tilespmem:s7+$0xFFFFFFD0] =	vst v2  }
0xce: {  	v2 =	vld [tilespmem:s9+$0xFFFFFFC0];
	[tilespmem:s7+$0xFFFFFFE0] =	vst v3  }
0xcf: {  	v3 =	vld [tilespmem:s9+$0xFFFFFFD0];
	[tilespmem:s7+$0xFFFFFFF0] =	vst v5  }
0xd0: {  	v5 =	vld [tilespmem:s9+$0xFFFFFFE0];
	[tilespmem:s7+$0xFFFFFF90] =	vst v7  }
0xd1: {  	v7 =	vld [tilespmem:s9+$0xFFFFFFF0]  }
0xd2: {  	v9 =	vld [tilespmem:s9+$0xFFFFFF90]  }
0xd3: {  	v8 =	vld.idx.msk [tilespmem:v8+s30+$0x0], $0xffff  }
0xd4: {  	v10 =	vld.idx.msk [tilespmem:v6+s30+$0x0], $0xffff  }
0xd5: {  	v6 =	vld.idx.msk [tilespmem:v4+s30+$0x0], $0xffff  }
.Ltmp3:
0xd6: {  	v4 =	vld.idx.msk [tilespmem:v2+s30+$0x0], $0xffff;
	(pc) =	sbr.rel @p0 .LBB2_8-.Ltmp3, $4  }
0xd7: {  	v2 =	vld.idx.msk [tilespmem:v3+s30+$0x0], $0xffff  }
0xd8: {  	s7 =	sadd.s32 $0x100, s7;
	v3 =	vld.idx.msk [tilespmem:v5+s30+$0x0], $0xffff  }
0xd9: {  	v5 =	vld.idx.msk [tilespmem:v7+s30+$0x0], $0xffff;
	[tilespmem:s7+$0x0] =	vst v8  }
0xda: {  	s9 =	sadd.s32 $0x100, s9;
	v7 =	vld.idx.msk [tilespmem:v9+s30+$0x0], $0xffff;
	[tilespmem:s7+$0xFFFFFFA0] =	vst v10  }
0xdb: {  	[tilespmem:s7+$0xFFFFFFB0] =	vst v6  }
0xdc: {  	[tilespmem:s7+$0xFFFFFFC0] =	vst v4  }
0xdd: {  	[tilespmem:s7+$0xFFFFFFD0] =	vst v2  }
0xde: {  	[tilespmem:s7+$0xFFFFFFE0] =	vst v3  }
0xdf: {  	[tilespmem:s7+$0xFFFFFFF0] =	vst v5  }
0xe0: {  	[tilespmem:s7+$0xFFFFFF90] =	vst v7  }
0xe1: {  	v2 =	vld [tilespmem:s6+$0x0]  }
0xe2: {  	v3 =	vld [tilespmem:s6+$0xFFFFFFA0]  }
0xe3: {  	v4 =	vld [tilespmem:s6+$0xFFFFFFB0]  }
0xe4: {  	v5 =	vld [tilespmem:s6+$0xFFFFFFC0]  }
0xe5: {  	v6 =	vld [tilespmem:s6+$0xFFFFFFD0]  }
0xe6: {  	v8 =	vld [tilespmem:s6+$0xFFFFFFE0]  }
0xe7: {  	v9 =	vld [tilespmem:s6+$0xFFFFFFF0]  }
0xe8: {  	v10 =	vld [tilespmem:s6+$0xFFFFFF90]  }
0xe9: {  	v11 =	vld.idx.msk [tilespmem:v2+s30+$0x0], $0xffff  }
0xea: {  	v12 =	vld.idx.msk [tilespmem:v3+s30+$0x0], $0xffff  }
0xeb: {  	v7 =	vld.idx.msk [tilespmem:v4+s30+$0x0], $0xffff  }
0xec: {  	v5 =	vld.idx.msk [tilespmem:v5+s30+$0x0], $0xffff  }
0xed: {  	v4 =	vld.idx.msk [tilespmem:v6+s30+$0x0], $0xffff  }
0xee: {  	v2 =	vld.idx.msk [tilespmem:v8+s30+$0x0], $0xffff  }
0xef: {  	v3 =	vld.idx.msk [tilespmem:v9+s30+$0x0], $0xffff;
	[tilespmem:s5+$0x0] =	vst v11  }
0xf0: {  	s7 =	simm.s32 $0x11AF0;
	s6 =	simm.s32 $0x140;
	v6 =	vld.idx.msk [tilespmem:v10+s30+$0x0], $0xffff;
	[tilespmem:s5+$0xFFFFFFA0] =	vst v12  }
.LBB2_10:
0xf1: {  	v8 =	vld [tilespmem:s7+$0x0];
	s6 =	sadd.s32 $0x8, s6;
	[tilespmem:s5+$0xFFFFFFB0] =	vst v7  }
0xf2: {  	v7 =	vld [tilespmem:s7+$0xFFFFFFA0];
	p0 =	slt.u32 s6, $0x270;
	[tilespmem:s5+$0xFFFFFFC0] =	vst v5  }
0xf3: {  	v5 =	vld [tilespmem:s7+$0xFFFFFFB0];
	[tilespmem:s5+$0xFFFFFFD0] =	vst v4  }
0xf4: {  	v4 =	vld [tilespmem:s7+$0xFFFFFFC0];
	[tilespmem:s5+$0xFFFFFFE0] =	vst v2  }
0xf5: {  	v2 =	vld [tilespmem:s7+$0xFFFFFFD0];
	[tilespmem:s5+$0xFFFFFFF0] =	vst v3  }
0xf6: {  	v3 =	vld [tilespmem:s7+$0xFFFFFFE0];
	[tilespmem:s5+$0xFFFFFF90] =	vst v6  }
0xf7: {  	v6 =	vld [tilespmem:s7+$0xFFFFFFF0]  }
0xf8: {  	v9 =	vld [tilespmem:s7+$0xFFFFFF90]  }
0xf9: {  	v8 =	vld.idx.msk [tilespmem:v8+s30+$0x0], $0xffff  }
0xfa: {  	v10 =	vld.idx.msk [tilespmem:v7+s30+$0x0], $0xffff  }
0xfb: {  	v7 =	vld.idx.msk [tilespmem:v5+s30+$0x0], $0xffff  }
.Ltmp4:
0xfc: {  	v5 =	vld.idx.msk [tilespmem:v4+s30+$0x0], $0xffff;
	(pc) =	sbr.rel @p0 .LBB2_10-.Ltmp4, $4  }
0xfd: {  	v4 =	vld.idx.msk [tilespmem:v2+s30+$0x0], $0xffff  }
0xfe: {  	s5 =	sadd.s32 $0x100, s5;
	v2 =	vld.idx.msk [tilespmem:v3+s30+$0x0], $0xffff  }
0xff: {  	v3 =	vld.idx.msk [tilespmem:v6+s30+$0x0], $0xffff;
	[tilespmem:s5+$0x0] =	vst v8  }
0x100: {  	s7 =	sadd.s32 $0x100, s7;
	v6 =	vld.idx.msk [tilespmem:v9+s30+$0x0], $0xffff;
	[tilespmem:s5+$0xFFFFFFA0] =	vst v10  }
0x101: {  	[tilespmem:s5+$0xFFFFFFB0] =	vst v7  }
0x102: {  	[tilespmem:s5+$0xFFFFFFC0] =	vst v5  }
0x103: {  	[tilespmem:s5+$0xFFFFFFD0] =	vst v4  }
0x104: {  	[tilespmem:s5+$0xFFFFFFE0] =	vst v2  }
0x105: {  	[tilespmem:s5+$0xFFFFFFF0] =	vst v3  }
0x106: {  	s17 =	simm.s32 $0x16800;
	[tilespmem:s5+$0xFFFFFF90] =	vst v6  }
0x107: {  	[hbm4b:s15+s4] =	stream.linear.scatter [tilespmem:s17], [sflag:$0x5], $0x2700, $0x38;
	[tilespmem:$0x18F00] =	vst v63  }
0x108: {  	_ =	swait.ge [sflag:s3], $0x2800  }
0x109: {  	[sflag:s3] =	ssyncset.done $0x0  }
0x10a: {  	[sflag:s3] =	ssyncadd.s32 $0xFFFFD800  }
0x10b: {  	_ =	swait.ge [sflag:s3], $0x2700  }
0x10c: {  	[sflag:s3] =	ssyncset.done $0x0  }
0x10d: {  	[sflag:s3] =	ssyncadd.s32 $0xFFFFD900  }
0x10e: {  	_ =	swait.ge [sflag:s21], $0x2800  }
0x10f: {  	[sflag:s21] =	ssyncset.done $0x0  }
0x110: {  	[sflag:s21] =	ssyncadd.s32 $0xFFFFD800  }
0x111: {  	_ =	swait.ge [sflag:s21], $0x2800  }
0x112: {  	[sflag:s21] =	ssyncset.done $0x0  }
0x113: {  	s2 =	sadd.s32 $0x1, s2;
	[sflag:s21] =	ssyncadd.s32 $0xFFFFD800  }
0x114: {  	p0 =	sne.s32 s2, s16;
	_ =	swait.ge [sflag:s21], $0x2800  }
.Ltmp5:
0x115: {  	[sflag:s21] =	ssyncset.done $0x0;
	(pc) =	sbr.rel @p0 .LBB2_1-.Ltmp5, $4  }
0x116: {  	[sflag:s21] =	ssyncadd.s32 $0xFFFFD800  }
0x117: {  	_ =	swait.ge [sflag:s21], $0x2800  }
0x118: {  	[sflag:s21] =	ssyncset.done $0x0  }
0x119: {  	[sflag:s21] =	ssyncadd.s32 $0xFFFFD800  }
0x11a: {  	_ =	sfence.sel $0x180000  }
0x11b: {  	[bflag:$0x0] =	sbarrier.arrive $0xFFFF  }
0x11c: {  	_ =	strace $0x90000047  }
0x11d: {  	s0 =	stileid.u32;
	[bflag:$0x2] =	sbarrier.arrive $0xFFFF  }
0x11e: {  	p0 =	sne.s32 s0, $0x0;
	s0 =	rddreg [dreg:$0x5]  }
0x11f: {  	s0 =	sadd.s32 @!p0 $0x100000, s0  }
0x120: {  	[sflag:s0] =	ssyncadd.tile.s32 @!p0 $0x1;
	_ =	shalt  }
.Lfunc_end2:
_tile_overlayer_lowered:
.L_overlay_start_2:
0x121: {  	(tag) =	ssettag $0x2  }
0x122: {  	s0 =	rddreg [dreg:$0x0];
	s2 =	stileid.u32  }
0x123: {  	s1 =	rddreg [dreg:$0x1];
	p0 =	sne.s32 s2, $0x0  }
0x124: {  	s3 =	rddreg [dreg:$0x2];
	[bflag:$0x3] =	sbarrier.arrive $0xFFFF;
	s2 =	simm.s32 @!p0 $0x1C07  }
0x125: {  	[timem:s3], [sflag:s2] =	dma.local @!p0 [hbm:s0], s1  }
0x126: {  	s0 =	simm.s32 @!p0 $0x7  }
0x127: {  	_ =	swait.ge @!p0 [sflag:s0], s1  }
0x128: {  	s1 =	ssub.s32 @!p0 $0x0, s1;
	[sflag:s0] =	ssyncset.done @!p0 $0x0  }
0x129: {  	[sflag:s0] =	ssyncadd.s32 @!p0 s1  }
0x12a: {  	[bflag:$0x3] =	sbarrier.arrive $0xFFFF  }
0x12b: {  	_ =	shalt  }

</sc_bundles>
